<compile_context>
chip_gen: v7x
topology: tpu7x:2x2x1
jax: 0.10.2.dev20260603
libtpu: 0.0.44.dev20260713+nightly
codegen_flags: <defaults>
</compile_context>

<pallas_src>
import functools

import jax
import jax.numpy as jnp
from jax import lax
from jax.experimental import pallas as pl
from jax.experimental.pallas import tpu as pltpu
from jax.experimental.pallas import tpu_sc as plsc

N = 10000
E = 320000
D = 128
R = 8
C = 16

NC = 2
NS = 16
NW = NC * NS
LANES = 16

EPW = E // NW
K = 128
CH = -(-EPW // K)
PAD = CH * K - EPW
N2 = 10240
RPT = N2 // NS

BN = 1000



def _enc_body(h_ref, encW_ref, encb_ref, decW_ref, decb_ref,
              W_ref, Wself_ref, b_ref,
              he_ref, dec_ref, self_ref, proj_ref):
    h = h_ref[...]
    he = jnp.maximum(jnp.dot(h, encW_ref[...],
                             preferred_element_type=jnp.float32)
                     + encb_ref[...], 0.0)
    he_ref[...] = he
    dec_ref[...] = jnp.dot(he, decW_ref[...],
                           preferred_element_type=jnp.float32) + decb_ref[...]
    self_ref[...] = jnp.dot(he, Wself_ref[...],
                            preferred_element_type=jnp.float32) + b_ref[...]
    for r in range(R):
        proj_ref[r] = jnp.dot(he, W_ref[r], preferred_element_type=jnp.float32)


def _mid_body(p_ref, self1_ref, W_ref, Wself_ref, b_ref,
              self2_ref, proj_ref):
    x = jnp.maximum(p_ref[0] + p_ref[1] + self1_ref[...], 0.0)
    self2_ref[...] = jnp.dot(x, Wself_ref[...],
                             preferred_element_type=jnp.float32) + b_ref[...]
    for r in range(R):
        proj_ref[r] = jnp.dot(x, W_ref[r], preferred_element_type=jnp.float32)


def _head_body(p_ref, self2_ref, clsW_ref, clsb_ref, probs_ref, acc_ref):
    i = pl.program_id(0)
    y = jnp.maximum(p_ref[0] + p_ref[1] + self2_ref[...], 0.0)
    part = jnp.sum(y, axis=0, keepdims=True)

    @pl.when(i == 0)
    def _():
        acc_ref[...] = part

    @pl.when(i > 0)
    def _():
        acc_ref[...] = acc_ref[...] + part

    @pl.when(i == pl.num_programs(0) - 1)
    def _():
        hg = acc_ref[...] * (1.0 / N)
        logits = jnp.dot(hg, clsW_ref[...],
                         preferred_element_type=jnp.float32) + clsb_ref[...]
        m = jnp.max(logits, axis=1, keepdims=True)
        e = jnp.exp(logits - m)
        probs_ref[...] = e / jnp.sum(e, axis=1, keepdims=True)


def _row_spec(bn):
    return pl.BlockSpec((bn, D), lambda i: (i, 0))


def _full_spec(shape):
    nd = len(shape)
    return pl.BlockSpec(shape, lambda i: (0,) * nd)



_sc_mesh = plsc.VectorSubcoreMesh(core_axis_name="c", subcore_axis_name="s")


@functools.partial(
    pl.kernel,
    mesh=_sc_mesh,
    out_type=jax.ShapeDtypeStruct((NC, N2, D), jnp.float32),
    scratch_types=[
        pltpu.VMEM((CH, K), jnp.int32),
        pltpu.VMEM((CH, K), jnp.int32),
        pltpu.VMEM((K, D), jnp.float32),
        pltpu.VMEM_SHARED((N2, D), jnp.float32),
        pltpu.SemaphoreType.DMA,
    ],
)
def _edge_agg(proj_hbm, gidx_hbm, didx_hbm, out_hbm,
              gidx_v, didx_v, rows0, agg, sem0):
    c = lax.axis_index("c")
    s = lax.axis_index("s")
    w = c * NS + s

    def zero_row(i, carry):
        for jj in range(D // LANES):
            rows0[i, pl.ds(jj * LANES, LANES)] = jnp.zeros((LANES,),
                                                           jnp.float32)
        return carry

    lax.fori_loop(0, K, zero_row, 0)
    base = s * RPT
    for q in range(RPT // K):
        pltpu.sync_copy(rows0, agg.at[pl.ds(base + q * K, K)])
    plsc.subcore_barrier()

    pltpu.sync_copy(gidx_hbm.at[w], gidx_v)
    pltpu.sync_copy(didx_hbm.at[w], didx_v)

    def chunk(j, carry):
        pltpu.async_copy(proj_hbm.at[gidx_v.at[j]], rows0, sem0).wait()
        pltpu.sync_copy(rows0, agg.at[didx_v.at[j]], add=True)
        return carry

    lax.fori_loop(0, CH, chunk, 0)
    plsc.subcore_barrier()

    pltpu.sync_copy(agg.at[pl.ds(base, RPT)], out_hbm.at[c, pl.ds(base, RPT)])



@jax.jit
def kernel(h, edge_index, rel_types, enc_W, enc_b, dec_W, dec_b,
           c1_W, c1_Wself, c1_b, c2_W, c2_Wself, c2_b, cls_W, cls_b):
    h = jnp.asarray(h, jnp.float32)
    enc_b2 = enc_b.reshape(1, D)
    dec_b2 = dec_b.reshape(1, D)
    c1_b2 = c1_b.reshape(1, D)
    c2_b2 = c2_b.reshape(1, D)
    cls_b2 = cls_b.reshape(1, C)

    src = edge_index[0]
    dst = edge_index[1]
    gidx = (rel_types * N + src).astype(jnp.int32).reshape(NW, EPW)
    didx = dst.astype(jnp.int32).reshape(NW, EPW)
    gidx = jnp.pad(gidx, ((0, 0), (0, PAD))).reshape(NW, CH, K)
    didx = jnp.pad(didx, ((0, 0), (0, PAD)),
                   constant_values=N).reshape(NW, CH, K)

    grid = N // BN

    he, decoded, self1, proj1 = pl.pallas_call(
        _enc_body,
        grid=(grid,),
        in_specs=[_row_spec(BN), _full_spec((D, D)), _full_spec((1, D)),
                  _full_spec((D, D)), _full_spec((1, D)),
                  _full_spec((R, D, D)), _full_spec((D, D)),
                  _full_spec((1, D))],
        out_specs=[_row_spec(BN), _row_spec(BN), _row_spec(BN),
                   pl.BlockSpec((R, BN, D), lambda i: (0, i, 0))],
        out_shape=[jax.ShapeDtypeStruct((N, D), jnp.float32),
                   jax.ShapeDtypeStruct((N, D), jnp.float32),
                   jax.ShapeDtypeStruct((N, D), jnp.float32),
                   jax.ShapeDtypeStruct((R, N, D), jnp.float32)],
    )(h, enc_W, enc_b2, dec_W, dec_b2, c1_W, c1_Wself, c1_b2)

    part1 = _edge_agg(proj1.reshape(R * N, D), gidx, didx)

    self2, proj2 = pl.pallas_call(
        _mid_body,
        grid=(grid,),
        in_specs=[pl.BlockSpec((NC, BN, D), lambda i: (0, i, 0)),
                  _row_spec(BN), _full_spec((R, D, D)), _full_spec((D, D)),
                  _full_spec((1, D))],
        out_specs=[_row_spec(BN),
                   pl.BlockSpec((R, BN, D), lambda i: (0, i, 0))],
        out_shape=[jax.ShapeDtypeStruct((N, D), jnp.float32),
                   jax.ShapeDtypeStruct((R, N, D), jnp.float32)],
    )(part1, self1, c2_W, c2_Wself, c2_b2)

    part2 = _edge_agg(proj2.reshape(R * N, D), gidx, didx)

    probs = pl.pallas_call(
        _head_body,
        grid=(grid,),
        in_specs=[pl.BlockSpec((NC, BN, D), lambda i: (0, i, 0)),
                  _row_spec(BN), _full_spec((D, C)), _full_spec((1, C))],
        out_specs=pl.BlockSpec((1, C), lambda i: (0, 0)),
        out_shape=jax.ShapeDtypeStruct((1, C), jnp.float32),
        scratch_shapes=[pltpu.VMEM((1, D), jnp.float32)],
    )(part2, self2, cls_W, cls_b2)

    return (decoded, probs)

# --- scband reference (transcript-rebuilt; emitter-appended) ---
"""Pipeline reference for scband-classifier-wauto-69879117906562 (READ-ONLY COPY).

The authoritative reference and input builder live on the scoring server;
editing this copy changes nothing except your own understanding.
"""

import jax, jax.numpy as jnp
import numpy as np

N = 10000
E = 320000
D = 128
R = 8
C = 16


def setup_inputs(seed: int = 0) -> dict:
    key = jax.random.key(seed)
    ks = jax.random.split(key, 16)
    h = jax.random.normal(ks[0], (N, D), dtype=jnp.float32)
    edge_index = jax.random.randint(ks[1], (2, E), 0, N, dtype=jnp.int32)
    rel_types = jax.random.randint(ks[2], (E,), 0, R, dtype=jnp.int32)
    s = 0.05
    enc_W = jax.random.normal(ks[3], (D, D), dtype=jnp.float32) * s
    enc_b = jax.random.normal(ks[4], (D,), dtype=jnp.float32) * s
    dec_W = jax.random.normal(ks[5], (D, D), dtype=jnp.float32) * s
    dec_b = jax.random.normal(ks[6], (D,), dtype=jnp.float32) * s
    c1_W = jax.random.normal(ks[7], (R, D, D), dtype=jnp.float32) * s
    c1_Wself = jax.random.normal(ks[8], (D, D), dtype=jnp.float32) * s
    c1_b = jax.random.normal(ks[9], (D,), dtype=jnp.float32) * s
    c2_W = jax.random.normal(ks[10], (R, D, D), dtype=jnp.float32) * s
    c2_Wself = jax.random.normal(ks[11], (D, D), dtype=jnp.float32) * s
    c2_b = jax.random.normal(ks[12], (D,), dtype=jnp.float32) * s
    cls_W = jax.random.normal(ks[13], (D, C), dtype=jnp.float32) * s
    cls_b = jax.random.normal(ks[14], (C,), dtype=jnp.float32) * s
    return {"h": h, "edge_index": edge_index, "rel_types": rel_types,
            "enc_W": enc_W, "enc_b": enc_b, "dec_W": dec_W, "dec_b": dec_b,
            "c1_W": c1_W, "c1_Wself": c1_Wself, "c1_b": c1_b,
            "c2_W": c2_W, "c2_Wself": c2_Wself, "c2_b": c2_b,
            "cls_W": cls_W, "cls_b": cls_b}


def _relconv(h, W, Wself, b, src, dst, rel):
    # R-GCN layer (regularizer=None, no edge norm, self_loop=True, bias=True):
    # out_i = sum_{e: dst(e)=i} W_{rel(e)} h_{src(e)} + h_i W_self + b
    all_proj = jnp.einsum('nd,rdo->rno', h, W)          # [R, N, D]
    msg = all_proj[rel, src]                            # gather per-edge messages
    agg = jax.ops.segment_sum(msg, dst, num_segments=h.shape[0])  # scatter-add
    return agg + h @ Wself + b


def reference(h, edge_index, rel_types, enc_W, enc_b, dec_W, dec_b,
              c1_W, c1_Wself, c1_b, c2_W, c2_Wself, c2_b, cls_W, cls_b):
    h = jnp.asarray(h, jnp.float32)
    he = jax.nn.relu(h @ enc_W + enc_b)                 # encoder
    decoded = he @ dec_W + dec_b                        # decoder (autoencoder branch)
    # dropout layers are identity in eval mode
    src = edge_index[0]
    dst = edge_index[1]
    x = _relconv(he, c1_W, c1_Wself, c1_b, src, dst, rel_types)
    x = jax.nn.relu(x)
    x = jax.nn.relu(_relconv(x, c2_W, c2_Wself, c2_b, src, dst, rel_types))
    # dgl.mean_nodes over a single batched graph -> mean over all nodes
    hg = jnp.mean(x, axis=0, keepdims=True)             # [1, D]
    probs = jax.nn.softmax(hg @ cls_W + cls_b, axis=1)  # [1, C]
    return (decoded, probs)

if __name__ == "__main__":
    import jax
    _d = setup_inputs()
    print(jax.jit(kernel)(*tuple(_d.values())))

</pallas_src>

<mosaic_0001>
#map = affine_map<(d0, d1) -> (0, 0)>
#map1 = affine_map<(d0, d1) -> (0, 0, 0)>
module attributes {stable_mosaic.version = 14 : i64} {
  func.func @_edge_agg(%arg0: i32, %arg1: i32, %arg2: memref<80000x128xf32, #tpu.memory_space<hbm>>, %arg3: memref<32x79x128xi32, #tpu.memory_space<hbm>>, %arg4: memref<32x79x128xi32, #tpu.memory_space<hbm>>, %arg5: memref<2x10240x128xf32, #tpu.memory_space<hbm>>, %arg6: memref<79x128xi32, #tpu.memory_space<vmem>>, %arg7: memref<79x128xi32, #tpu.memory_space<vmem>>, %arg8: memref<128x128xf32, #tpu.memory_space<vmem>>, %arg9: memref<10240x128xf32, #tpu.memory_space<vmem_shared>>, %arg10: memref<!tpu.dma_semaphore, #tpu.memory_space<semaphore_mem>>) attributes {dimension_semantics = [#tpu.dimension_semantics<core_parallel>, #tpu.dimension_semantics<subcore_parallel>], iteration_bounds = array<i64: 2, 16>, scalar_prefetch = 0 : i64, scratch_operands = 5 : i64, tpu.core_type = #tpu.core_type<sc_vector_subcore>, window_params = [{transform_indices = #map}, {transform_indices = #map1}, {transform_indices = #map1}, {transform_indices = #map1}]} {
    %mul3A = arith.constant 16 : i32
    %mul3A_0 = arith.muli %arg0, %mul3A : i32
    %add3A = arith.addi %mul3A_0, %arg1 : i32
    %scan3A = arith.constant 0 : i32
    %scan3A_1 = arith.constant 0 : i32
    %scan3A_2 = arith.constant 128 : i32
    %scan3A_3 = arith.addi %scan3A_1, %scan3A_2 : i32
    %scan3A_4 = arith.constant 1 : i32
    scf.for %scan3A_25 = %scan3A_1 to %scan3A_3 step %scan3A_4  : i32 {
      %broadcast_in_dim3A = arith.constant 0.000000e+00 : f32
      %broadcast_in_dim3A_26 = vector.broadcast %broadcast_in_dim3A : f32 to vector<16xf32>
      %swap3A = arith.index_cast %scan3A_25 : i32 to index
      %swap3A_27 = arith.constant 0 : index
      %swap3A_28 = tpu.vector_load %arg8[%swap3A, %swap3A_27] {strides = array<i32>} : memref<128x128xf32, #tpu.memory_space<vmem>>, vector<1x16xf32>,
      %swap3A_29 = vector.shape_cast %swap3A_28 : vector<1x16xf32> to vector<16xf32>
      %swap3A_30 = vector.shape_cast %broadcast_in_dim3A_26 : vector<16xf32> to vector<1x16xf32>
      tpu.vector_store %arg8[%swap3A, %swap3A_27], %swap3A_30 {strides = array<i32>} : memref<128x128xf32, #tpu.memory_space<vmem>>, vector<1x16xf32>,
      %broadcast_in_dim3A_31 = arith.constant 0.000000e+00 : f32
      %broadcast_in_dim3A_32 = vector.broadcast %broadcast_in_dim3A_31 : f32 to vector<16xf32>
      %swap3A_33 = arith.index_cast %scan3A_25 : i32 to index
      %swap3A_34 = arith.constant 16 : index
      %swap3A_35 = tpu.vector_load %arg8[%swap3A_33, %swap3A_34] {strides = array<i32>} : memref<128x128xf32, #tpu.memory_space<vmem>>, vector<1x16xf32>,
      %swap3A_36 = vector.shape_cast %swap3A_35 : vector<1x16xf32> to vector<16xf32>
      %swap3A_37 = vector.shape_cast %broadcast_in_dim3A_32 : vector<16xf32> to vector<1x16xf32>
      tpu.vector_store %arg8[%swap3A_33, %swap3A_34], %swap3A_37 {strides = array<i32>} : memref<128x128xf32, #tpu.memory_space<vmem>>, vector<1x16xf32>,
      %broadcast_in_dim3A_38 = arith.constant 0.000000e+00 : f32
      %broadcast_in_dim3A_39 = vector.broadcast %broadcast_in_dim3A_38 : f32 to vector<16xf32>
      %swap3A_40 = arith.index_cast %scan3A_25 : i32 to index
      %swap3A_41 = arith.constant 32 : index
      %swap3A_42 = tpu.vector_load %arg8[%swap3A_40, %swap3A_41] {strides = array<i32>} : memref<128x128xf32, #tpu.memory_space<vmem>>, vector<1x16xf32>,
      %swap3A_43 = vector.shape_cast %swap3A_42 : vector<1x16xf32> to vector<16xf32>
      %swap3A_44 = vector.shape_cast %broadcast_in_dim3A_39 : vector<16xf32> to vector<1x16xf32>
      tpu.vector_store %arg8[%swap3A_40, %swap3A_41], %swap3A_44 {strides = array<i32>} : memref<128x128xf32, #tpu.memory_space<vmem>>, vector<1x16xf32>,
      %broadcast_in_dim3A_45 = arith.constant 0.000000e+00 : f32
      %broadcast_in_dim3A_46 = vector.broadcast %broadcast_in_dim3A_45 : f32 to vector<16xf32>
      %swap3A_47 = arith.index_cast %scan3A_25 : i32 to index
      %swap3A_48 = arith.constant 48 : index
      %swap3A_49 = tpu.vector_load %arg8[%swap3A_47, %swap3A_48] {strides = array<i32>} : memref<128x128xf32, #tpu.memory_space<vmem>>, vector<1x16xf32>,
      %swap3A_50 = vector.shape_cast %swap3A_49 : vector<1x16xf32> to vector<16xf32>
      %swap3A_51 = vector.shape_cast %broadcast_in_dim3A_46 : vector<16xf32> to vector<1x16xf32>
      tpu.vector_store %arg8[%swap3A_47, %swap3A_48], %swap3A_51 {strides = array<i32>} : memref<128x128xf32, #tpu.memory_space<vmem>>, vector<1x16xf32>,
      %broadcast_in_dim3A_52 = arith.constant 0.000000e+00 : f32
      %broadcast_in_dim3A_53 = vector.broadcast %broadcast_in_dim3A_52 : f32 to vector<16xf32>
      %swap3A_54 = arith.index_cast %scan3A_25 : i32 to index
      %swap3A_55 = arith.constant 64 : index
      %swap3A_56 = tpu.vector_load %arg8[%swap3A_54, %swap3A_55] {strides = array<i32>} : memref<128x128xf32, #tpu.memory_space<vmem>>, vector<1x16xf32>,
      %swap3A_57 = vector.shape_cast %swap3A_56 : vector<1x16xf32> to vector<16xf32>
      %swap3A_58 = vector.shape_cast %broadcast_in_dim3A_53 : vector<16xf32> to vector<1x16xf32>
      tpu.vector_store %arg8[%swap3A_54, %swap3A_55], %swap3A_58 {strides = array<i32>} : memref<128x128xf32, #tpu.memory_space<vmem>>, vector<1x16xf32>,
      %broadcast_in_dim3A_59 = arith.constant 0.000000e+00 : f32
      %broadcast_in_dim3A_60 = vector.broadcast %broadcast_in_dim3A_59 : f32 to vector<16xf32>
      %swap3A_61 = arith.index_cast %scan3A_25 : i32 to index
      %swap3A_62 = arith.constant 80 : index
      %swap3A_63 = tpu.vector_load %arg8[%swap3A_61, %swap3A_62] {strides = array<i32>} : memref<128x128xf32, #tpu.memory_space<vmem>>, vector<1x16xf32>,
      %swap3A_64 = vector.shape_cast %swap3A_63 : vector<1x16xf32> to vector<16xf32>
      %swap3A_65 = vector.shape_cast %broadcast_in_dim3A_60 : vector<16xf32> to vector<1x16xf32>
      tpu.vector_store %arg8[%swap3A_61, %swap3A_62], %swap3A_65 {strides = array<i32>} : memref<128x128xf32, #tpu.memory_space<vmem>>, vector<1x16xf32>,
      %broadcast_in_dim3A_66 = arith.constant 0.000000e+00 : f32
      %broadcast_in_dim3A_67 = vector.broadcast %broadcast_in_dim3A_66 : f32 to vector<16xf32>
      %swap3A_68 = arith.index_cast %scan3A_25 : i32 to index
      %swap3A_69 = arith.constant 96 : index
      %swap3A_70 = tpu.vector_load %arg8[%swap3A_68, %swap3A_69] {strides = array<i32>} : memref<128x128xf32, #tpu.memory_space<vmem>>, vector<1x16xf32>,
      %swap3A_71 = vector.shape_cast %swap3A_70 : vector<1x16xf32> to vector<16xf32>
      %swap3A_72 = vector.shape_cast %broadcast_in_dim3A_67 : vector<16xf32> to vector<1x16xf32>
      tpu.vector_store %arg8[%swap3A_68, %swap3A_69], %swap3A_72 {strides = array<i32>} : memref<128x128xf32, #tpu.memory_space<vmem>>, vector<1x16xf32>,
      %broadcast_in_dim3A_73 = arith.constant 0.000000e+00 : f32
      %broadcast_in_dim3A_74 = vector.broadcast %broadcast_in_dim3A_73 : f32 to vector<16xf32>
      %swap3A_75 = arith.index_cast %scan3A_25 : i32 to index
      %swap3A_76 = arith.constant 112 : index
      %swap3A_77 = tpu.vector_load %arg8[%swap3A_75, %swap3A_76] {strides = array<i32>} : memref<128x128xf32, #tpu.memory_space<vmem>>, vector<1x16xf32>,
      %swap3A_78 = vector.shape_cast %swap3A_77 : vector<1x16xf32> to vector<16xf32>
      %swap3A_79 = vector.shape_cast %broadcast_in_dim3A_74 : vector<16xf32> to vector<1x16xf32>
      tpu.vector_store %arg8[%swap3A_75, %swap3A_76], %swap3A_79 {strides = array<i32>} : memref<128x128xf32, #tpu.memory_space<vmem>>, vector<1x16xf32>,
    }
    %scan3A_5 = arith.constant 128 : i32
    %mul3A_6 = arith.constant 640 : i32
    %mul3A_7 = arith.muli %arg1, %mul3A_6 : i32
    %add3A_8 = arith.constant 0 : i32
    %add3A_9 = arith.addi %mul3A_7, %add3A_8 : i32
    "tpu.region"() ({
      %run_scoped3A = tpu.sem_alloc : memref<!tpu.dma_semaphore, #tpu.memory_space<semaphore_mem>>
      %dma_start3A = arith.constant 0 : i32
      %dma_start3A_25 = tpu.memref_slice %arg9[%add3A_9, %dma_start3A] : memref<10240x128xf32, #tpu.memory_space<vmem_shared>> -> memref<128x128xf32, #tpu.memory_space<vmem_shared>>
      %dma_start3A_26 = arith.constant 0 : i32
      %dma_start3A_27 = tpu.memref_slice %arg9[%add3A_9, %dma_start3A_26] : memref<10240x128xf32, #tpu.memory_space<vmem_shared>> -> memref<128x128xf32, #tpu.memory_space<vmem_shared>>
      tpu.enqueue_dma source(%arg8 : memref<128x128xf32, #tpu.memory_space<vmem>>) target(%dma_start3A_27 : memref<128x128xf32, #tpu.memory_space<vmem_shared>>) target_semaphore(%run_scoped3A : memref<!tpu.dma_semaphore, #tpu.memory_space<semaphore_mem>>)
      %dma_wait3A = arith.constant 0 : i32
      %dma_wait3A_28 = tpu.memref_slice %arg9[%add3A_9, %dma_wait3A] : memref<10240x128xf32, #tpu.memory_space<vmem_shared>> -> memref<128x128xf32, #tpu.memory_space<vmem_shared>>
      %dma_wait3A_29 = arith.constant 0 : i32
      %dma_wait3A_30 = tpu.memref_slice %arg9[%add3A_9, %dma_wait3A_29] : memref<10240x128xf32, #tpu.memory_space<vmem_shared>> -> memref<128x128xf32, #tpu.memory_space<vmem_shared>>
      tpu.wait_dma2 semaphore(%run_scoped3A : memref<!tpu.dma_semaphore, #tpu.memory_space<semaphore_mem>>) src(%arg8 : memref<128x128xf32, #tpu.memory_space<vmem>>) dst(%dma_wait3A_30 : memref<128x128xf32, #tpu.memory_space<vmem_shared>>)
      tpu.yield
    }) : () -> ()
    %add3A_10 = arith.constant 128 : i32
    %add3A_11 = arith.addi %mul3A_7, %add3A_10 : i32
    "tpu.region"() ({
      %run_scoped3A = tpu.sem_alloc : memref<!tpu.dma_semaphore, #tpu.memory_space<semaphore_mem>>
      %dma_start3A = arith.constant 0 : i32
      %dma_start3A_25 = tpu.memref_slice %arg9[%add3A_11, %dma_start3A] : memref<10240x128xf32, #tpu.memory_space<vmem_shared>> -> memref<128x128xf32, #tpu.memory_space<vmem_shared>>
      %dma_start3A_26 = arith.constant 0 : i32
      %dma_start3A_27 = tpu.memref_slice %arg9[%add3A_11, %dma_start3A_26] : memref<10240x128xf32, #tpu.memory_space<vmem_shared>> -> memref<128x128xf32, #tpu.memory_space<vmem_shared>>
      tpu.enqueue_dma source(%arg8 : memref<128x128xf32, #tpu.memory_space<vmem>>) target(%dma_start3A_27 : memref<128x128xf32, #tpu.memory_space<vmem_shared>>) target_semaphore(%run_scoped3A : memref<!tpu.dma_semaphore, #tpu.memory_space<semaphore_mem>>)
      %dma_wait3A = arith.constant 0 : i32
      %dma_wait3A_28 = tpu.memref_slice %arg9[%add3A_11, %dma_wait3A] : memref<10240x128xf32, #tpu.memory_space<vmem_shared>> -> memref<128x128xf32, #tpu.memory_space<vmem_shared>>
      %dma_wait3A_29 = arith.constant 0 : i32
      %dma_wait3A_30 = tpu.memref_slice %arg9[%add3A_11, %dma_wait3A_29] : memref<10240x128xf32, #tpu.memory_space<vmem_shared>> -> memref<128x128xf32, #tpu.memory_space<vmem_shared>>
      tpu.wait_dma2 semaphore(%run_scoped3A : memref<!tpu.dma_semaphore, #tpu.memory_space<semaphore_mem>>) src(%arg8 : memref<128x128xf32, #tpu.memory_space<vmem>>) dst(%dma_wait3A_30 : memref<128x128xf32, #tpu.memory_space<vmem_shared>>)
      tpu.yield
    }) : () -> ()
    %add3A_12 = arith.constant 256 : i32
    %add3A_13 = arith.addi %mul3A_7, %add3A_12 : i32
    "tpu.region"() ({
      %run_scoped3A = tpu.sem_alloc : memref<!tpu.dma_semaphore, #tpu.memory_space<semaphore_mem>>
      %dma_start3A = arith.constant 0 : i32
      %dma_start3A_25 = tpu.memref_slice %arg9[%add3A_13, %dma_start3A] : memref<10240x128xf32, #tpu.memory_space<vmem_shared>> -> memref<128x128xf32, #tpu.memory_space<vmem_shared>>
      %dma_start3A_26 = arith.constant 0 : i32
      %dma_start3A_27 = tpu.memref_slice %arg9[%add3A_13, %dma_start3A_26] : memref<10240x128xf32, #tpu.memory_space<vmem_shared>> -> memref<128x128xf32, #tpu.memory_space<vmem_shared>>
      tpu.enqueue_dma source(%arg8 : memref<128x128xf32, #tpu.memory_space<vmem>>) target(%dma_start3A_27 : memref<128x128xf32, #tpu.memory_space<vmem_shared>>) target_semaphore(%run_scoped3A : memref<!tpu.dma_semaphore, #tpu.memory_space<semaphore_mem>>)
      %dma_wait3A = arith.constant 0 : i32
      %dma_wait3A_28 = tpu.memref_slice %arg9[%add3A_13, %dma_wait3A] : memref<10240x128xf32, #tpu.memory_space<vmem_shared>> -> memref<128x128xf32, #tpu.memory_space<vmem_shared>>
      %dma_wait3A_29 = arith.constant 0 : i32
      %dma_wait3A_30 = tpu.memref_slice %arg9[%add3A_13, %dma_wait3A_29] : memref<10240x128xf32, #tpu.memory_space<vmem_shared>> -> memref<128x128xf32, #tpu.memory_space<vmem_shared>>
      tpu.wait_dma2 semaphore(%run_scoped3A : memref<!tpu.dma_semaphore, #tpu.memory_space<semaphore_mem>>) src(%arg8 : memref<128x128xf32, #tpu.memory_space<vmem>>) dst(%dma_wait3A_30 : memref<128x128xf32, #tpu.memory_space<vmem_shared>>)
      tpu.yield
    }) : () -> ()
    %add3A_14 = arith.constant 384 : i32
    %add3A_15 = arith.addi %mul3A_7, %add3A_14 : i32
    "tpu.region"() ({
      %run_scoped3A = tpu.sem_alloc : memref<!tpu.dma_semaphore, #tpu.memory_space<semaphore_mem>>
      %dma_start3A = arith.constant 0 : i32
      %dma_start3A_25 = tpu.memref_slice %arg9[%add3A_15, %dma_start3A] : memref<10240x128xf32, #tpu.memory_space<vmem_shared>> -> memref<128x128xf32, #tpu.memory_space<vmem_shared>>
      %dma_start3A_26 = arith.constant 0 : i32
      %dma_start3A_27 = tpu.memref_slice %arg9[%add3A_15, %dma_start3A_26] : memref<10240x128xf32, #tpu.memory_space<vmem_shared>> -> memref<128x128xf32, #tpu.memory_space<vmem_shared>>
      tpu.enqueue_dma source(%arg8 : memref<128x128xf32, #tpu.memory_space<vmem>>) target(%dma_start3A_27 : memref<128x128xf32, #tpu.memory_space<vmem_shared>>) target_semaphore(%run_scoped3A : memref<!tpu.dma_semaphore, #tpu.memory_space<semaphore_mem>>)
      %dma_wait3A = arith.constant 0 : i32
      %dma_wait3A_28 = tpu.memref_slice %arg9[%add3A_15, %dma_wait3A] : memref<10240x128xf32, #tpu.memory_space<vmem_shared>> -> memref<128x128xf32, #tpu.memory_space<vmem_shared>>
      %dma_wait3A_29 = arith.constant 0 : i32
      %dma_wait3A_30 = tpu.memref_slice %arg9[%add3A_15, %dma_wait3A_29] : memref<10240x128xf32, #tpu.memory_space<vmem_shared>> -> memref<128x128xf32, #tpu.memory_space<vmem_shared>>
      tpu.wait_dma2 semaphore(%run_scoped3A : memref<!tpu.dma_semaphore, #tpu.memory_space<semaphore_mem>>) src(%arg8 : memref<128x128xf32, #tpu.memory_space<vmem>>) dst(%dma_wait3A_30 : memref<128x128xf32, #tpu.memory_space<vmem_shared>>)
      tpu.yield
    }) : () -> ()
    %add3A_16 = arith.constant 512 : i32
    %add3A_17 = arith.addi %mul3A_7, %add3A_16 : i32
    "tpu.region"() ({
      %run_scoped3A = tpu.sem_alloc : memref<!tpu.dma_semaphore, #tpu.memory_space<semaphore_mem>>
      %dma_start3A = arith.constant 0 : i32
      %dma_start3A_25 = tpu.memref_slice %arg9[%add3A_17, %dma_start3A] : memref<10240x128xf32, #tpu.memory_space<vmem_shared>> -> memref<128x128xf32, #tpu.memory_space<vmem_shared>>
      %dma_start3A_26 = arith.constant 0 : i32
      %dma_start3A_27 = tpu.memref_slice %arg9[%add3A_17, %dma_start3A_26] : memref<10240x128xf32, #tpu.memory_space<vmem_shared>> -> memref<128x128xf32, #tpu.memory_space<vmem_shared>>
      tpu.enqueue_dma source(%arg8 : memref<128x128xf32, #tpu.memory_space<vmem>>) target(%dma_start3A_27 : memref<128x128xf32, #tpu.memory_space<vmem_shared>>) target_semaphore(%run_scoped3A : memref<!tpu.dma_semaphore, #tpu.memory_space<semaphore_mem>>)
      %dma_wait3A = arith.constant 0 : i32
      %dma_wait3A_28 = tpu.memref_slice %arg9[%add3A_17, %dma_wait3A] : memref<10240x128xf32, #tpu.memory_space<vmem_shared>> -> memref<128x128xf32, #tpu.memory_space<vmem_shared>>
      %dma_wait3A_29 = arith.constant 0 : i32
      %dma_wait3A_30 = tpu.memref_slice %arg9[%add3A_17, %dma_wait3A_29] : memref<10240x128xf32, #tpu.memory_space<vmem_shared>> -> memref<128x128xf32, #tpu.memory_space<vmem_shared>>
      tpu.wait_dma2 semaphore(%run_scoped3A : memref<!tpu.dma_semaphore, #tpu.memory_space<semaphore_mem>>) src(%arg8 : memref<128x128xf32, #tpu.memory_space<vmem>>) dst(%dma_wait3A_30 : memref<128x128xf32, #tpu.memory_space<vmem_shared>>)
      tpu.yield
    }) : () -> ()
    %barrier3A = arith.constant 0 : index
    tpu.barrier barrier_id(%barrier3A)
    "tpu.region"() ({
      %run_scoped3A = tpu.sem_alloc : memref<!tpu.dma_semaphore, #tpu.memory_space<semaphore_mem>>
      %dma_start3A = arith.constant 0 : i32
      %dma_start3A_25 = arith.constant 0 : i32
      %dma_start3A_26 = tpu.memref_slice %arg3[%add3A, %dma_start3A, %dma_start3A_25] : memref<32x79x128xi32, #tpu.memory_space<hbm>> -> memref<1x79x128xi32, #tpu.memory_space<hbm>>
      %dma_start3A_27 = tpu.memref_squeeze %dma_start3A_26 : memref<1x79x128xi32, #tpu.memory_space<hbm>> -> memref<79x128xi32, #tpu.memory_space<hbm>>
      %dma_start3A_28 = arith.constant 0 : i32
      %dma_start3A_29 = arith.constant 0 : i32
      %dma_start3A_30 = tpu.memref_slice %arg3[%add3A, %dma_start3A_28, %dma_start3A_29] : memref<32x79x128xi32, #tpu.memory_space<hbm>> -> memref<1x79x128xi32, #tpu.memory_space<hbm>>
      %dma_start3A_31 = tpu.memref_squeeze %dma_start3A_30 : memref<1x79x128xi32, #tpu.memory_space<hbm>> -> memref<79x128xi32, #tpu.memory_space<hbm>>
      tpu.enqueue_dma source(%dma_start3A_31 : memref<79x128xi32, #tpu.memory_space<hbm>>) target(%arg6 : memref<79x128xi32, #tpu.memory_space<vmem>>) target_semaphore(%run_scoped3A : memref<!tpu.dma_semaphore, #tpu.memory_space<semaphore_mem>>)
      %dma_wait3A = arith.constant 0 : i32
      %dma_wait3A_32 = arith.constant 0 : i32
      %dma_wait3A_33 = tpu.memref_slice %arg3[%add3A, %dma_wait3A, %dma_wait3A_32] : memref<32x79x128xi32, #tpu.memory_space<hbm>> -> memref<1x79x128xi32, #tpu.memory_space<hbm>>
      %dma_wait3A_34 = tpu.memref_squeeze %dma_wait3A_33 : memref<1x79x128xi32, #tpu.memory_space<hbm>> -> memref<79x128xi32, #tpu.memory_space<hbm>>
      %dma_wait3A_35 = arith.constant 0 : i32
      %dma_wait3A_36 = arith.constant 0 : i32
      %dma_wait3A_37 = tpu.memref_slice %arg3[%add3A, %dma_wait3A_35, %dma_wait3A_36] : memref<32x79x128xi32, #tpu.memory_space<hbm>> -> memref<1x79x128xi32, #tpu.memory_space<hbm>>
      %dma_wait3A_38 = tpu.memref_squeeze %dma_wait3A_37 : memref<1x79x128xi32, #tpu.memory_space<hbm>> -> memref<79x128xi32, #tpu.memory_space<hbm>>
      tpu.wait_dma2 semaphore(%run_scoped3A : memref<!tpu.dma_semaphore, #tpu.memory_space<semaphore_mem>>) src(%dma_wait3A_38 : memref<79x128xi32, #tpu.memory_space<hbm>>) dst(%arg6 : memref<79x128xi32, #tpu.memory_space<vmem>>)
      tpu.yield
    }) : () -> ()
    "tpu.region"() ({
      %run_scoped3A = tpu.sem_alloc : memref<!tpu.dma_semaphore, #tpu.memory_space<semaphore_mem>>
      %dma_start3A = arith.constant 0 : i32
      %dma_start3A_25 = arith.constant 0 : i32
      %dma_start3A_26 = tpu.memref_slice %arg4[%add3A, %dma_start3A, %dma_start3A_25] : memref<32x79x128xi32, #tpu.memory_space<hbm>> -> memref<1x79x128xi32, #tpu.memory_space<hbm>>
      %dma_start3A_27 = tpu.memref_squeeze %dma_start3A_26 : memref<1x79x128xi32, #tpu.memory_space<hbm>> -> memref<79x128xi32, #tpu.memory_space<hbm>>
      %dma_start3A_28 = arith.constant 0 : i32
      %dma_start3A_29 = arith.constant 0 : i32
      %dma_start3A_30 = tpu.memref_slice %arg4[%add3A, %dma_start3A_28, %dma_start3A_29] : memref<32x79x128xi32, #tpu.memory_space<hbm>> -> memref<1x79x128xi32, #tpu.memory_space<hbm>>
      %dma_start3A_31 = tpu.memref_squeeze %dma_start3A_30 : memref<1x79x128xi32, #tpu.memory_space<hbm>> -> memref<79x128xi32, #tpu.memory_space<hbm>>
      tpu.enqueue_dma source(%dma_start3A_31 : memref<79x128xi32, #tpu.memory_space<hbm>>) target(%arg7 : memref<79x128xi32, #tpu.memory_space<vmem>>) target_semaphore(%run_scoped3A : memref<!tpu.dma_semaphore, #tpu.memory_space<semaphore_mem>>)
      %dma_wait3A = arith.constant 0 : i32
      %dma_wait3A_32 = arith.constant 0 : i32
      %dma_wait3A_33 = tpu.memref_slice %arg4[%add3A, %dma_wait3A, %dma_wait3A_32] : memref<32x79x128xi32, #tpu.memory_space<hbm>> -> memref<1x79x128xi32, #tpu.memory_space<hbm>>
      %dma_wait3A_34 = tpu.memref_squeeze %dma_wait3A_33 : memref<1x79x128xi32, #tpu.memory_space<hbm>> -> memref<79x128xi32, #tpu.memory_space<hbm>>
      %dma_wait3A_35 = arith.constant 0 : i32
      %dma_wait3A_36 = arith.constant 0 : i32
      %dma_wait3A_37 = tpu.memref_slice %arg4[%add3A, %dma_wait3A_35, %dma_wait3A_36] : memref<32x79x128xi32, #tpu.memory_space<hbm>> -> memref<1x79x128xi32, #tpu.memory_space<hbm>>
      %dma_wait3A_38 = tpu.memref_squeeze %dma_wait3A_37 : memref<1x79x128xi32, #tpu.memory_space<hbm>> -> memref<79x128xi32, #tpu.memory_space<hbm>>
      tpu.wait_dma2 semaphore(%run_scoped3A : memref<!tpu.dma_semaphore, #tpu.memory_space<semaphore_mem>>) src(%dma_wait3A_38 : memref<79x128xi32, #tpu.memory_space<hbm>>) dst(%arg7 : memref<79x128xi32, #tpu.memory_space<vmem>>)
      tpu.yield
    }) : () -> ()
    %scan3A_18 = arith.constant 0 : i32
    %scan3A_19 = arith.constant 0 : i32
    %scan3A_20 = arith.constant 79 : i32
    %scan3A_21 = arith.addi %scan3A_19, %scan3A_20 : i32
    %scan3A_22 = arith.constant 1 : i32
    scf.for %scan3A_25 = %scan3A_19 to %scan3A_21 step %scan3A_22  : i32 {
      %dma_start3A = arith.constant 0 : i32
      %dma_start3A_26 = tpu.memref_slice %arg6[%scan3A_25, %dma_start3A] : memref<79x128xi32, #tpu.memory_space<vmem>> -> memref<1x128xi32, #tpu.memory_space<vmem>>
      %dma_start3A_27 = tpu.memref_squeeze %dma_start3A_26 : memref<1x128xi32, #tpu.memory_space<vmem>> -> memref<128xi32, #tpu.memory_space<vmem>>
      %dma_start3A_28 = arith.constant 0 : i32
      %dma_start3A_29 = arith.constant 0 : i32
      %dma_start3A_30 = tpu.memref_slice %arg2[%dma_start3A_28, %dma_start3A_29] : memref<80000x128xf32, #tpu.memory_space<hbm>> -> memref<80000x128xf32, #tpu.memory_space<hbm>>
      tpu.enqueue_indirect_dma source(%dma_start3A_30 : memref<80000x128xf32, #tpu.memory_space<hbm>>) target(%arg8 : memref<128x128xf32, #tpu.memory_space<vmem>>) offsets(%dma_start3A_27 : memref<128xi32, #tpu.memory_space<vmem>>) semaphore(%arg10 : memref<!tpu.dma_semaphore, #tpu.memory_space<semaphore_mem>>)
      %dma_wait3A = arith.constant 0 : i32
      %dma_wait3A_31 = tpu.memref_slice %arg6[%scan3A_25, %dma_wait3A] : memref<79x128xi32, #tpu.memory_space<vmem>> -> memref<1x128xi32, #tpu.memory_space<vmem>>
      %dma_wait3A_32 = tpu.memref_squeeze %dma_wait3A_31 : memref<1x128xi32, #tpu.memory_space<vmem>> -> memref<128xi32, #tpu.memory_space<vmem>>
      %dma_wait3A_33 = arith.constant 0 : i32
      %dma_wait3A_34 = arith.constant 0 : i32
      %dma_wait3A_35 = tpu.memref_slice %arg2[%dma_wait3A_33, %dma_wait3A_34] : memref<80000x128xf32, #tpu.memory_space<hbm>> -> memref<80000x128xf32, #tpu.memory_space<hbm>>
      tpu.wait_indirect_dma semaphore(%arg10 : memref<!tpu.dma_semaphore, #tpu.memory_space<semaphore_mem>>) src(%dma_wait3A_35 : memref<80000x128xf32, #tpu.memory_space<hbm>>) dst(%arg8 : memref<128x128xf32, #tpu.memory_space<vmem>>)
      "tpu.region"() ({
        %run_scoped3A = tpu.sem_alloc : memref<!tpu.dma_semaphore, #tpu.memory_space<semaphore_mem>>
        %dma_start3A_36 = arith.constant 0 : i32
        %dma_start3A_37 = tpu.memref_slice %arg7[%scan3A_25, %dma_start3A_36] : memref<79x128xi32, #tpu.memory_space<vmem>> -> memref<1x128xi32, #tpu.memory_space<vmem>>
        %dma_start3A_38 = tpu.memref_squeeze %dma_start3A_37 : memref<1x128xi32, #tpu.memory_space<vmem>> -> memref<128xi32, #tpu.memory_space<vmem>>
        %dma_start3A_39 = arith.constant 0 : i32
        %dma_start3A_40 = arith.constant 0 : i32
        %dma_start3A_41 = tpu.memref_slice %arg9[%dma_start3A_39, %dma_start3A_40] : memref<10240x128xf32, #tpu.memory_space<vmem_shared>> -> memref<10240x128xf32, #tpu.memory_space<vmem_shared>>
        tpu.enqueue_indirect_dma source(%arg8 : memref<128x128xf32, #tpu.memory_space<vmem>>) target(%dma_start3A_41 : memref<10240x128xf32, #tpu.memory_space<vmem_shared>>) offsets(%dma_start3A_38 : memref<128xi32, #tpu.memory_space<vmem>>) semaphore(%run_scoped3A : memref<!tpu.dma_semaphore, #tpu.memory_space<semaphore_mem>>) {add = true}
        %dma_wait3A_42 = arith.constant 0 : i32
        %dma_wait3A_43 = tpu.memref_slice %arg7[%scan3A_25, %dma_wait3A_42] : memref<79x128xi32, #tpu.memory_space<vmem>> -> memref<1x128xi32, #tpu.memory_space<vmem>>
        %dma_wait3A_44 = tpu.memref_squeeze %dma_wait3A_43 : memref<1x128xi32, #tpu.memory_space<vmem>> -> memref<128xi32, #tpu.memory_space<vmem>>
        %dma_wait3A_45 = arith.constant 0 : i32
        %dma_wait3A_46 = arith.constant 0 : i32
        %dma_wait3A_47 = tpu.memref_slice %arg9[%dma_wait3A_45, %dma_wait3A_46] : memref<10240x128xf32, #tpu.memory_space<vmem_shared>> -> memref<10240x128xf32, #tpu.memory_space<vmem_shared>>
        tpu.wait_indirect_dma semaphore(%run_scoped3A : memref<!tpu.dma_semaphore, #tpu.memory_space<semaphore_mem>>) src(%arg8 : memref<128x128xf32, #tpu.memory_space<vmem>>) dst(%dma_wait3A_47 : memref<10240x128xf32, #tpu.memory_space<vmem_shared>>)
        tpu.yield
      }) : () -> ()
    }
    %scan3A_23 = arith.constant 79 : i32
    %barrier3A_24 = arith.constant 0 : index
    tpu.barrier barrier_id(%barrier3A_24)
    "tpu.region"() ({
      %run_scoped3A = tpu.sem_alloc : memref<!tpu.dma_semaphore, #tpu.memory_space<semaphore_mem>>
      %dma_start3A = arith.constant 0 : i32
      %dma_start3A_25 = tpu.memref_slice %arg5[%arg0, %mul3A_7, %dma_start3A] : memref<2x10240x128xf32, #tpu.memory_space<hbm>> -> memref<1x640x128xf32, #tpu.memory_space<hbm>>
      %dma_start3A_26 = tpu.memref_squeeze %dma_start3A_25 : memref<1x640x128xf32, #tpu.memory_space<hbm>> -> memref<640x128xf32, #tpu.memory_space<hbm>>
      %dma_start3A_27 = arith.constant 0 : i32
      %dma_start3A_28 = tpu.memref_slice %arg9[%mul3A_7, %dma_start3A_27] : memref<10240x128xf32, #tpu.memory_space<vmem_shared>> -> memref<640x128xf32, #tpu.memory_space<vmem_shared>>
      tpu.enqueue_dma source(%dma_start3A_28 : memref<640x128xf32, #tpu.memory_space<vmem_shared>>) target(%dma_start3A_26 : memref<640x128xf32, #tpu.memory_space<hbm>>) target_semaphore(%run_scoped3A : memref<!tpu.dma_semaphore, #tpu.memory_space<semaphore_mem>>)
      %dma_wait3A = arith.constant 0 : i32
      %dma_wait3A_29 = tpu.memref_slice %arg5[%arg0, %mul3A_7, %dma_wait3A] : memref<2x10240x128xf32, #tpu.memory_space<hbm>> -> memref<1x640x128xf32, #tpu.memory_space<hbm>>
      %dma_wait3A_30 = tpu.memref_squeeze %dma_wait3A_29 : memref<1x640x128xf32, #tpu.memory_space<hbm>> -> memref<640x128xf32, #tpu.memory_space<hbm>>
      %dma_wait3A_31 = arith.constant 0 : i32
      %dma_wait3A_32 = tpu.memref_slice %arg9[%mul3A_7, %dma_wait3A_31] : memref<10240x128xf32, #tpu.memory_space<vmem_shared>> -> memref<640x128xf32, #tpu.memory_space<vmem_shared>>
      tpu.wait_dma2 semaphore(%run_scoped3A : memref<!tpu.dma_semaphore, #tpu.memory_space<semaphore_mem>>) src(%dma_wait3A_32 : memref<640x128xf32, #tpu.memory_space<vmem_shared>>) dst(%dma_wait3A_30 : memref<640x128xf32, #tpu.memory_space<hbm>>)
      tpu.yield
    }) : () -> ()
    return
  }
}

#map = affine_map<(d0, d1) -> (0, 0)>
#map1 = affine_map<(d0, d1) -> (0, 0, 0)>
module attributes {stable_mosaic.version = 14 : i64} {
  func.func @_edge_agg(%arg0: i32, %arg1: i32, %arg2: memref<80000x128xf32, #tpu.memory_space<hbm>>, %arg3: memref<32x79x128xi32, #tpu.memory_space<hbm>>, %arg4: memref<32x79x128xi32, #tpu.memory_space<hbm>>, %arg5: memref<2x10240x128xf32, #tpu.memory_space<hbm>>, %arg6: memref<79x128xi32, #tpu.memory_space<vmem>>, %arg7: memref<79x128xi32, #tpu.memory_space<vmem>>, %arg8: memref<128x128xf32, #tpu.memory_space<vmem>>, %arg9: memref<10240x128xf32, #tpu.memory_space<vmem_shared>>, %arg10: memref<!tpu.dma_semaphore, #tpu.memory_space<semaphore_mem>>) attributes {dimension_semantics = [#tpu.dimension_semantics<core_parallel>, #tpu.dimension_semantics<subcore_parallel>], iteration_bounds = array<i64: 2, 16>, scalar_prefetch = 0 : i64, scratch_operands = 5 : i64, tpu.core_type = #tpu.core_type<sc_vector_subcore>, window_params = [{transform_indices = #map}, {transform_indices = #map1}, {transform_indices = #map1}, {transform_indices = #map1}]} {
    %mul3A = arith.constant 16 : i32
    %mul3A_0 = arith.muli %arg0, %mul3A : i32
    %add3A = arith.addi %mul3A_0, %arg1 : i32
    %scan3A = arith.constant 0 : i32
    %scan3A_1 = arith.constant 0 : i32
    %scan3A_2 = arith.constant 128 : i32
    %scan3A_3 = arith.addi %scan3A_1, %scan3A_2 : i32
    %scan3A_4 = arith.constant 1 : i32
    scf.for %scan3A_25 = %scan3A_1 to %scan3A_3 step %scan3A_4  : i32 {
      %broadcast_in_dim3A = arith.constant 0.000000e+00 : f32
      %broadcast_in_dim3A_26 = vector.broadcast %broadcast_in_dim3A : f32 to vector<16xf32>
      %swap3A = arith.index_cast %scan3A_25 : i32 to index
      %swap3A_27 = arith.constant 0 : index
      %swap3A_28 = tpu.vector_load %arg8[%swap3A, %swap3A_27] {strides = array<i32>} : memref<128x128xf32, #tpu.memory_space<vmem>>, vector<1x16xf32>,
      %swap3A_29 = vector.shape_cast %swap3A_28 : vector<1x16xf32> to vector<16xf32>
      %swap3A_30 = vector.shape_cast %broadcast_in_dim3A_26 : vector<16xf32> to vector<1x16xf32>
      tpu.vector_store %arg8[%swap3A, %swap3A_27], %swap3A_30 {strides = array<i32>} : memref<128x128xf32, #tpu.memory_space<vmem>>, vector<1x16xf32>,
      %broadcast_in_dim3A_31 = arith.constant 0.000000e+00 : f32
      %broadcast_in_dim3A_32 = vector.broadcast %broadcast_in_dim3A_31 : f32 to vector<16xf32>
      %swap3A_33 = arith.index_cast %scan3A_25 : i32 to index
      %swap3A_34 = arith.constant 16 : index
      %swap3A_35 = tpu.vector_load %arg8[%swap3A_33, %swap3A_34] {strides = array<i32>} : memref<128x128xf32, #tpu.memory_space<vmem>>, vector<1x16xf32>,
      %swap3A_36 = vector.shape_cast %swap3A_35 : vector<1x16xf32> to vector<16xf32>
      %swap3A_37 = vector.shape_cast %broadcast_in_dim3A_32 : vector<16xf32> to vector<1x16xf32>
      tpu.vector_store %arg8[%swap3A_33, %swap3A_34], %swap3A_37 {strides = array<i32>} : memref<128x128xf32, #tpu.memory_space<vmem>>, vector<1x16xf32>,
      %broadcast_in_dim3A_38 = arith.constant 0.000000e+00 : f32
      %broadcast_in_dim3A_39 = vector.broadcast %broadcast_in_dim3A_38 : f32 to vector<16xf32>
      %swap3A_40 = arith.index_cast %scan3A_25 : i32 to index
      %swap3A_41 = arith.constant 32 : index
      %swap3A_42 = tpu.vector_load %arg8[%swap3A_40, %swap3A_41] {strides = array<i32>} : memref<128x128xf32, #tpu.memory_space<vmem>>, vector<1x16xf32>,
      %swap3A_43 = vector.shape_cast %swap3A_42 : vector<1x16xf32> to vector<16xf32>
      %swap3A_44 = vector.shape_cast %broadcast_in_dim3A_39 : vector<16xf32> to vector<1x16xf32>
      tpu.vector_store %arg8[%swap3A_40, %swap3A_41], %swap3A_44 {strides = array<i32>} : memref<128x128xf32, #tpu.memory_space<vmem>>, vector<1x16xf32>,
      %broadcast_in_dim3A_45 = arith.constant 0.000000e+00 : f32
      %broadcast_in_dim3A_46 = vector.broadcast %broadcast_in_dim3A_45 : f32 to vector<16xf32>
      %swap3A_47 = arith.index_cast %scan3A_25 : i32 to index
      %swap3A_48 = arith.constant 48 : index
      %swap3A_49 = tpu.vector_load %arg8[%swap3A_47, %swap3A_48] {strides = array<i32>} : memref<128x128xf32, #tpu.memory_space<vmem>>, vector<1x16xf32>,
      %swap3A_50 = vector.shape_cast %swap3A_49 : vector<1x16xf32> to vector<16xf32>
      %swap3A_51 = vector.shape_cast %broadcast_in_dim3A_46 : vector<16xf32> to vector<1x16xf32>
      tpu.vector_store %arg8[%swap3A_47, %swap3A_48], %swap3A_51 {strides = array<i32>} : memref<128x128xf32, #tpu.memory_space<vmem>>, vector<1x16xf32>,
      %broadcast_in_dim3A_52 = arith.constant 0.000000e+00 : f32
      %broadcast_in_dim3A_53 = vector.broadcast %broadcast_in_dim3A_52 : f32 to vector<16xf32>
      %swap3A_54 = arith.index_cast %scan3A_25 : i32 to index
      %swap3A_55 = arith.constant 64 : index
      %swap3A_56 = tpu.vector_load %arg8[%swap3A_54, %swap3A_55] {strides = array<i32>} : memref<128x128xf32, #tpu.memory_space<vmem>>, vector<1x16xf32>,
      %swap3A_57 = vector.shape_cast %swap3A_56 : vector<1x16xf32> to vector<16xf32>
      %swap3A_58 = vector.shape_cast %broadcast_in_dim3A_53 : vector<16xf32> to vector<1x16xf32>
      tpu.vector_store %arg8[%swap3A_54, %swap3A_55], %swap3A_58 {strides = array<i32>} : memref<128x128xf32, #tpu.memory_space<vmem>>, vector<1x16xf32>,
      %broadcast_in_dim3A_59 = arith.constant 0.000000e+00 : f32
      %broadcast_in_dim3A_60 = vector.broadcast %broadcast_in_dim3A_59 : f32 to vector<16xf32>
      %swap3A_61 = arith.index_cast %scan3A_25 : i32 to index
      %swap3A_62 = arith.constant 80 : index
      %swap3A_63 = tpu.vector_load %arg8[%swap3A_61, %swap3A_62] {strides = array<i32>} : memref<128x128xf32, #tpu.memory_space<vmem>>, vector<1x16xf32>,
      %swap3A_64 = vector.shape_cast %swap3A_63 : vector<1x16xf32> to vector<16xf32>
      %swap3A_65 = vector.shape_cast %broadcast_in_dim3A_60 : vector<16xf32> to vector<1x16xf32>
      tpu.vector_store %arg8[%swap3A_61, %swap3A_62], %swap3A_65 {strides = array<i32>} : memref<128x128xf32, #tpu.memory_space<vmem>>, vector<1x16xf32>,
      %broadcast_in_dim3A_66 = arith.constant 0.000000e+00 : f32
      %broadcast_in_dim3A_67 = vector.broadcast %broadcast_in_dim3A_66 : f32 to vector<16xf32>
      %swap3A_68 = arith.index_cast %scan3A_25 : i32 to index
      %swap3A_69 = arith.constant 96 : index
      %swap3A_70 = tpu.vector_load %arg8[%swap3A_68, %swap3A_69] {strides = array<i32>} : memref<128x128xf32, #tpu.memory_space<vmem>>, vector<1x16xf32>,
      %swap3A_71 = vector.shape_cast %swap3A_70 : vector<1x16xf32> to vector<16xf32>
      %swap3A_72 = vector.shape_cast %broadcast_in_dim3A_67 : vector<16xf32> to vector<1x16xf32>
      tpu.vector_store %arg8[%swap3A_68, %swap3A_69], %swap3A_72 {strides = array<i32>} : memref<128x128xf32, #tpu.memory_space<vmem>>, vector<1x16xf32>,
      %broadcast_in_dim3A_73 = arith.constant 0.000000e+00 : f32
      %broadcast_in_dim3A_74 = vector.broadcast %broadcast_in_dim3A_73 : f32 to vector<16xf32>
      %swap3A_75 = arith.index_cast %scan3A_25 : i32 to index
      %swap3A_76 = arith.constant 112 : index
      %swap3A_77 = tpu.vector_load %arg8[%swap3A_75, %swap3A_76] {strides = array<i32>} : memref<128x128xf32, #tpu.memory_space<vmem>>, vector<1x16xf32>,
      %swap3A_78 = vector.shape_cast %swap3A_77 : vector<1x16xf32> to vector<16xf32>
      %swap3A_79 = vector.shape_cast %broadcast_in_dim3A_74 : vector<16xf32> to vector<1x16xf32>
      tpu.vector_store %arg8[%swap3A_75, %swap3A_76], %swap3A_79 {strides = array<i32>} : memref<128x128xf32, #tpu.memory_space<vmem>>, vector<1x16xf32>,
    }
    %scan3A_5 = arith.constant 128 : i32
    %mul3A_6 = arith.constant 640 : i32
    %mul3A_7 = arith.muli %arg1, %mul3A_6 : i32
    %add3A_8 = arith.constant 0 : i32
    %add3A_9 = arith.addi %mul3A_7, %add3A_8 : i32
    "tpu.region"() ({
      %run_scoped3A = tpu.sem_alloc : memref<!tpu.dma_semaphore, #tpu.memory_space<semaphore_mem>>
      %dma_start3A = arith.constant 0 : i32
      %dma_start3A_25 = tpu.memref_slice %arg9[%add3A_9, %dma_start3A] : memref<10240x128xf32, #tpu.memory_space<vmem_shared>> -> memref<128x128xf32, #tpu.memory_space<vmem_shared>>
      %dma_start3A_26 = arith.constant 0 : i32
      %dma_start3A_27 = tpu.memref_slice %arg9[%add3A_9, %dma_start3A_26] : memref<10240x128xf32, #tpu.memory_space<vmem_shared>> -> memref<128x128xf32, #tpu.memory_space<vmem_shared>>
      tpu.enqueue_dma source(%arg8 : memref<128x128xf32, #tpu.memory_space<vmem>>) target(%dma_start3A_27 : memref<128x128xf32, #tpu.memory_space<vmem_shared>>) target_semaphore(%run_scoped3A : memref<!tpu.dma_semaphore, #tpu.memory_space<semaphore_mem>>)
      %dma_wait3A = arith.constant 0 : i32
      %dma_wait3A_28 = tpu.memref_slice %arg9[%add3A_9, %dma_wait3A] : memref<10240x128xf32, #tpu.memory_space<vmem_shared>> -> memref<128x128xf32, #tpu.memory_space<vmem_shared>>
      %dma_wait3A_29 = arith.constant 0 : i32
      %dma_wait3A_30 = tpu.memref_slice %arg9[%add3A_9, %dma_wait3A_29] : memref<10240x128xf32, #tpu.memory_space<vmem_shared>> -> memref<128x128xf32, #tpu.memory_space<vmem_shared>>
      tpu.wait_dma2 semaphore(%run_scoped3A : memref<!tpu.dma_semaphore, #tpu.memory_space<semaphore_mem>>) src(%arg8 : memref<128x128xf32, #tpu.memory_space<vmem>>) dst(%dma_wait3A_30 : memref<128x128xf32, #tpu.memory_space<vmem_shared>>)
      tpu.yield
    }) : () -> ()
    %add3A_10 = arith.constant 128 : i32
    %add3A_11 = arith.addi %mul3A_7, %add3A_10 : i32
    "tpu.region"() ({
      %run_scoped3A = tpu.sem_alloc : memref<!tpu.dma_semaphore, #tpu.memory_space<semaphore_mem>>
      %dma_start3A = arith.constant 0 : i32
      %dma_start3A_25 = tpu.memref_slice %arg9[%add3A_11, %dma_start3A] : memref<10240x128xf32, #tpu.memory_space<vmem_shared>> -> memref<128x128xf32, #tpu.memory_space<vmem_shared>>
      %dma_start3A_26 = arith.constant 0 : i32
      %dma_start3A_27 = tpu.memref_slice %arg9[%add3A_11, %dma_start3A_26] : memref<10240x128xf32, #tpu.memory_space<vmem_shared>> -> memref<128x128xf32, #tpu.memory_space<vmem_shared>>
      tpu.enqueue_dma source(%arg8 : memref<128x128xf32, #tpu.memory_space<vmem>>) target(%dma_start3A_27 : memref<128x128xf32, #tpu.memory_space<vmem_shared>>) target_semaphore(%run_scoped3A : memref<!tpu.dma_semaphore, #tpu.memory_space<semaphore_mem>>)
      %dma_wait3A = arith.constant 0 : i32
      %dma_wait3A_28 = tpu.memref_slice %arg9[%add3A_11, %dma_wait3A] : memref<10240x128xf32, #tpu.memory_space<vmem_shared>> -> memref<128x128xf32, #tpu.memory_space<vmem_shared>>
      %dma_wait3A_29 = arith.constant 0 : i32
      %dma_wait3A_30 = tpu.memref_slice %arg9[%add3A_11, %dma_wait3A_29] : memref<10240x128xf32, #tpu.memory_space<vmem_shared>> -> memref<128x128xf32, #tpu.memory_space<vmem_shared>>
      tpu.wait_dma2 semaphore(%run_scoped3A : memref<!tpu.dma_semaphore, #tpu.memory_space<semaphore_mem>>) src(%arg8 : memref<128x128xf32, #tpu.memory_space<vmem>>) dst(%dma_wait3A_30 : memref<128x128xf32, #tpu.memory_space<vmem_shared>>)
      tpu.yield
    }) : () -> ()
    %add3A_12 = arith.constant 256 : i32
    %add3A_13 = arith.addi %mul3A_7, %add3A_12 : i32
    "tpu.region"() ({
      %run_scoped3A = tpu.sem_alloc : memref<!tpu.dma_semaphore, #tpu.memory_space<semaphore_mem>>
      %dma_start3A = arith.constant 0 : i32
      %dma_start3A_25 = tpu.memref_slice %arg9[%add3A_13, %dma_start3A] : memref<10240x128xf32, #tpu.memory_space<vmem_shared>> -> memref<128x128xf32, #tpu.memory_space<vmem_shared>>
      %dma_start3A_26 = arith.constant 0 : i32
      %dma_start3A_27 = tpu.memref_slice %arg9[%add3A_13, %dma_start3A_26] : memref<10240x128xf32, #tpu.memory_space<vmem_shared>> -> memref<128x128xf32, #tpu.memory_space<vmem_shared>>
      tpu.enqueue_dma source(%arg8 : memref<128x128xf32, #tpu.memory_space<vmem>>) target(%dma_start3A_27 : memref<128x128xf32, #tpu.memory_space<vmem_shared>>) target_semaphore(%run_scoped3A : memref<!tpu.dma_semaphore, #tpu.memory_space<semaphore_mem>>)
      %dma_wait3A = arith.constant 0 : i32
      %dma_wait3A_28 = tpu.memref_slice %arg9[%add3A_13, %dma_wait3A] : memref<10240x128xf32, #tpu.memory_space<vmem_shared>> -> memref<128x128xf32, #tpu.memory_space<vmem_shared>>
      %dma_wait3A_29 = arith.constant 0 : i32
      %dma_wait3A_30 = tpu.memref_slice %arg9[%add3A_13, %dma_wait3A_29] : memref<10240x128xf32, #tpu.memory_space<vmem_shared>> -> memref<128x128xf32, #tpu.memory_space<vmem_shared>>
      tpu.wait_dma2 semaphore(%run_scoped3A : memref<!tpu.dma_semaphore, #tpu.memory_space<semaphore_mem>>) src(%arg8 : memref<128x128xf32, #tpu.memory_space<vmem>>) dst(%dma_wait3A_30 : memref<128x128xf32, #tpu.memory_space<vmem_shared>>)
      tpu.yield
    }) : () -> ()
    %add3A_14 = arith.constant 384 : i32
    %add3A_15 = arith.addi %mul3A_7, %add3A_14 : i32
    "tpu.region"() ({
      %run_scoped3A = tpu.sem_alloc : memref<!tpu.dma_semaphore, #tpu.memory_space<semaphore_mem>>
      %dma_start3A = arith.constant 0 : i32
      %dma_start3A_25 = tpu.memref_slice %arg9[%add3A_15, %dma_start3A] : memref<10240x128xf32, #tpu.memory_space<vmem_shared>> -> memref<128x128xf32, #tpu.memory_space<vmem_shared>>
      %dma_start3A_26 = arith.constant 0 : i32
      %dma_start3A_27 = tpu.memref_slice %arg9[%add3A_15, %dma_start3A_26] : memref<10240x128xf32, #tpu.memory_space<vmem_shared>> -> memref<128x128xf32, #tpu.memory_space<vmem_shared>>
      tpu.enqueue_dma source(%arg8 : memref<128x128xf32, #tpu.memory_space<vmem>>) target(%dma_start3A_27 : memref<128x128xf32, #tpu.memory_space<vmem_shared>>) target_semaphore(%run_scoped3A : memref<!tpu.dma_semaphore, #tpu.memory_space<semaphore_mem>>)
      %dma_wait3A = arith.constant 0 : i32
      %dma_wait3A_28 = tpu.memref_slice %arg9[%add3A_15, %dma_wait3A] : memref<10240x128xf32, #tpu.memory_space<vmem_shared>> -> memref<128x128xf32, #tpu.memory_space<vmem_shared>>
      %dma_wait3A_29 = arith.constant 0 : i32
      %dma_wait3A_30 = tpu.memref_slice %arg9[%add3A_15, %dma_wait3A_29] : memref<10240x128xf32, #tpu.memory_space<vmem_shared>> -> memref<128x128xf32, #tpu.memory_space<vmem_shared>>
      tpu.wait_dma2 semaphore(%run_scoped3A : memref<!tpu.dma_semaphore, #tpu.memory_space<semaphore_mem>>) src(%arg8 : memref<128x128xf32, #tpu.memory_space<vmem>>) dst(%dma_wait3A_30 : memref<128x128xf32, #tpu.memory_space<vmem_shared>>)
      tpu.yield
    }) : () -> ()
    %add3A_16 = arith.constant 512 : i32
    %add3A_17 = arith.addi %mul3A_7, %add3A_16 : i32
    "tpu.region"() ({
      %run_scoped3A = tpu.sem_alloc : memref<!tpu.dma_semaphore, #tpu.memory_space<semaphore_mem>>
      %dma_start3A = arith.constant 0 : i32
      %dma_start3A_25 = tpu.memref_slice %arg9[%add3A_17, %dma_start3A] : memref<10240x128xf32, #tpu.memory_space<vmem_shared>> -> memref<128x128xf32, #tpu.memory_space<vmem_shared>>
      %dma_start3A_26 = arith.constant 0 : i32
      %dma_start3A_27 = tpu.memref_slice %arg9[%add3A_17, %dma_start3A_26] : memref<10240x128xf32, #tpu.memory_space<vmem_shared>> -> memref<128x128xf32, #tpu.memory_space<vmem_shared>>
      tpu.enqueue_dma source(%arg8 : memref<128x128xf32, #tpu.memory_space<vmem>>) target(%dma_start3A_27 : memref<128x128xf32, #tpu.memory_space<vmem_shared>>) target_semaphore(%run_scoped3A : memref<!tpu.dma_semaphore, #tpu.memory_space<semaphore_mem>>)
      %dma_wait3A = arith.constant 0 : i32
      %dma_wait3A_28 = tpu.memref_slice %arg9[%add3A_17, %dma_wait3A] : memref<10240x128xf32, #tpu.memory_space<vmem_shared>> -> memref<128x128xf32, #tpu.memory_space<vmem_shared>>
      %dma_wait3A_29 = arith.constant 0 : i32
      %dma_wait3A_30 = tpu.memref_slice %arg9[%add3A_17, %dma_wait3A_29] : memref<10240x128xf32, #tpu.memory_space<vmem_shared>> -> memref<128x128xf32, #tpu.memory_space<vmem_shared>>
      tpu.wait_dma2 semaphore(%run_scoped3A : memref<!tpu.dma_semaphore, #tpu.memory_space<semaphore_mem>>) src(%arg8 : memref<128x128xf32, #tpu.memory_space<vmem>>) dst(%dma_wait3A_30 : memref<128x128xf32, #tpu.memory_space<vmem_shared>>)
      tpu.yield
    }) : () -> ()
    %barrier3A = arith.constant 0 : index
    tpu.barrier barrier_id(%barrier3A)
    "tpu.region"() ({
      %run_scoped3A = tpu.sem_alloc : memref<!tpu.dma_semaphore, #tpu.memory_space<semaphore_mem>>
      %dma_start3A = arith.constant 0 : i32
      %dma_start3A_25 = arith.constant 0 : i32
      %dma_start3A_26 = tpu.memref_slice %arg3[%add3A, %dma_start3A, %dma_start3A_25] : memref<32x79x128xi32, #tpu.memory_space<hbm>> -> memref<1x79x128xi32, #tpu.memory_space<hbm>>
      %dma_start3A_27 = tpu.memref_squeeze %dma_start3A_26 : memref<1x79x128xi32, #tpu.memory_space<hbm>> -> memref<79x128xi32, #tpu.memory_space<hbm>>
      %dma_start3A_28 = arith.constant 0 : i32
      %dma_start3A_29 = arith.constant 0 : i32
      %dma_start3A_30 = tpu.memref_slice %arg3[%add3A, %dma_start3A_28, %dma_start3A_29] : memref<32x79x128xi32, #tpu.memory_space<hbm>> -> memref<1x79x128xi32, #tpu.memory_space<hbm>>
      %dma_start3A_31 = tpu.memref_squeeze %dma_start3A_30 : memref<1x79x128xi32, #tpu.memory_space<hbm>> -> memref<79x128xi32, #tpu.memory_space<hbm>>
      tpu.enqueue_dma source(%dma_start3A_31 : memref<79x128xi32, #tpu.memory_space<hbm>>) target(%arg6 : memref<79x128xi32, #tpu.memory_space<vmem>>) target_semaphore(%run_scoped3A : memref<!tpu.dma_semaphore, #tpu.memory_space<semaphore_mem>>)
      %dma_wait3A = arith.constant 0 : i32
      %dma_wait3A_32 = arith.constant 0 : i32
      %dma_wait3A_33 = tpu.memref_slice %arg3[%add3A, %dma_wait3A, %dma_wait3A_32] : memref<32x79x128xi32, #tpu.memory_space<hbm>> -> memref<1x79x128xi32, #tpu.memory_space<hbm>>
      %dma_wait3A_34 = tpu.memref_squeeze %dma_wait3A_33 : memref<1x79x128xi32, #tpu.memory_space<hbm>> -> memref<79x128xi32, #tpu.memory_space<hbm>>
      %dma_wait3A_35 = arith.constant 0 : i32
      %dma_wait3A_36 = arith.constant 0 : i32
      %dma_wait3A_37 = tpu.memref_slice %arg3[%add3A, %dma_wait3A_35, %dma_wait3A_36] : memref<32x79x128xi32, #tpu.memory_space<hbm>> -> memref<1x79x128xi32, #tpu.memory_space<hbm>>
      %dma_wait3A_38 = tpu.memref_squeeze %dma_wait3A_37 : memref<1x79x128xi32, #tpu.memory_space<hbm>> -> memref<79x128xi32, #tpu.memory_space<hbm>>
      tpu.wait_dma2 semaphore(%run_scoped3A : memref<!tpu.dma_semaphore, #tpu.memory_space<semaphore_mem>>) src(%dma_wait3A_38 : memref<79x128xi32, #tpu.memory_space<hbm>>) dst(%arg6 : memref<79x128xi32, #tpu.memory_space<vmem>>)
      tpu.yield
    }) : () -> ()
    "tpu.region"() ({
      %run_scoped3A = tpu.sem_alloc : memref<!tpu.dma_semaphore, #tpu.memory_space<semaphore_mem>>
      %dma_start3A = arith.constant 0 : i32
      %dma_start3A_25 = arith.constant 0 : i32
      %dma_start3A_26 = tpu.memref_slice %arg4[%add3A, %dma_start3A, %dma_start3A_25] : memref<32x79x128xi32, #tpu.memory_space<hbm>> -> memref<1x79x128xi32, #tpu.memory_space<hbm>>
      %dma_start3A_27 = tpu.memref_squeeze %dma_start3A_26 : memref<1x79x128xi32, #tpu.memory_space<hbm>> -> memref<79x128xi32, #tpu.memory_space<hbm>>
      %dma_start3A_28 = arith.constant 0 : i32
      %dma_start3A_29 = arith.constant 0 : i32
      %dma_start3A_30 = tpu.memref_slice %arg4[%add3A, %dma_start3A_28, %dma_start3A_29] : memref<32x79x128xi32, #tpu.memory_space<hbm>> -> memref<1x79x128xi32, #tpu.memory_space<hbm>>
      %dma_start3A_31 = tpu.memref_squeeze %dma_start3A_30 : memref<1x79x128xi32, #tpu.memory_space<hbm>> -> memref<79x128xi32, #tpu.memory_space<hbm>>
      tpu.enqueue_dma source(%dma_start3A_31 : memref<79x128xi32, #tpu.memory_space<hbm>>) target(%arg7 : memref<79x128xi32, #tpu.memory_space<vmem>>) target_semaphore(%run_scoped3A : memref<!tpu.dma_semaphore, #tpu.memory_space<semaphore_mem>>)
      %dma_wait3A = arith.constant 0 : i32
      %dma_wait3A_32 = arith.constant 0 : i32
      %dma_wait3A_33 = tpu.memref_slice %arg4[%add3A, %dma_wait3A, %dma_wait3A_32] : memref<32x79x128xi32, #tpu.memory_space<hbm>> -> memref<1x79x128xi32, #tpu.memory_space<hbm>>
      %dma_wait3A_34 = tpu.memref_squeeze %dma_wait3A_33 : memref<1x79x128xi32, #tpu.memory_space<hbm>> -> memref<79x128xi32, #tpu.memory_space<hbm>>
      %dma_wait3A_35 = arith.constant 0 : i32
      %dma_wait3A_36 = arith.constant 0 : i32
      %dma_wait3A_37 = tpu.memref_slice %arg4[%add3A, %dma_wait3A_35, %dma_wait3A_36] : memref<32x79x128xi32, #tpu.memory_space<hbm>> -> memref<1x79x128xi32, #tpu.memory_space<hbm>>
      %dma_wait3A_38 = tpu.memref_squeeze %dma_wait3A_37 : memref<1x79x128xi32, #tpu.memory_space<hbm>> -> memref<79x128xi32, #tpu.memory_space<hbm>>
      tpu.wait_dma2 semaphore(%run_scoped3A : memref<!tpu.dma_semaphore, #tpu.memory_space<semaphore_mem>>) src(%dma_wait3A_38 : memref<79x128xi32, #tpu.memory_space<hbm>>) dst(%arg7 : memref<79x128xi32, #tpu.memory_space<vmem>>)
      tpu.yield
    }) : () -> ()
    %scan3A_18 = arith.constant 0 : i32
    %scan3A_19 = arith.constant 0 : i32
    %scan3A_20 = arith.constant 79 : i32
    %scan3A_21 = arith.addi %scan3A_19, %scan3A_20 : i32
    %scan3A_22 = arith.constant 1 : i32
    scf.for %scan3A_25 = %scan3A_19 to %scan3A_21 step %scan3A_22  : i32 {
      %dma_start3A = arith.constant 0 : i32
      %dma_start3A_26 = tpu.memref_slice %arg6[%scan3A_25, %dma_start3A] : memref<79x128xi32, #tpu.memory_space<vmem>> -> memref<1x128xi32, #tpu.memory_space<vmem>>
      %dma_start3A_27 = tpu.memref_squeeze %dma_start3A_26 : memref<1x128xi32, #tpu.memory_space<vmem>> -> memref<128xi32, #tpu.memory_space<vmem>>
      %dma_start3A_28 = arith.constant 0 : i32
      %dma_start3A_29 = arith.constant 0 : i32
      %dma_start3A_30 = tpu.memref_slice %arg2[%dma_start3A_28, %dma_start3A_29] : memref<80000x128xf32, #tpu.memory_space<hbm>> -> memref<80000x128xf32, #tpu.memory_space<hbm>>
      tpu.enqueue_indirect_dma source(%dma_start3A_30 : memref<80000x128xf32, #tpu.memory_space<hbm>>) target(%arg8 : memref<128x128xf32, #tpu.memory_space<vmem>>) offsets(%dma_start3A_27 : memref<128xi32, #tpu.memory_space<vmem>>) semaphore(%arg10 : memref<!tpu.dma_semaphore, #tpu.memory_space<semaphore_mem>>)
      %dma_wait3A = arith.constant 0 : i32
      %dma_wait3A_31 = tpu.memref_slice %arg6[%scan3A_25, %dma_wait3A] : memref<79x128xi32, #tpu.memory_space<vmem>> -> memref<1x128xi32, #tpu.memory_space<vmem>>
      %dma_wait3A_32 = tpu.memref_squeeze %dma_wait3A_31 : memref<1x128xi32, #tpu.memory_space<vmem>> -> memref<128xi32, #tpu.memory_space<vmem>>
      %dma_wait3A_33 = arith.constant 0 : i32
      %dma_wait3A_34 = arith.constant 0 : i32
      %dma_wait3A_35 = tpu.memref_slice %arg2[%dma_wait3A_33, %dma_wait3A_34] : memref<80000x128xf32, #tpu.memory_space<hbm>> -> memref<80000x128xf32, #tpu.memory_space<hbm>>
      tpu.wait_indirect_dma semaphore(%arg10 : memref<!tpu.dma_semaphore, #tpu.memory_space<semaphore_mem>>) src(%dma_wait3A_35 : memref<80000x128xf32, #tpu.memory_space<hbm>>) dst(%arg8 : memref<128x128xf32, #tpu.memory_space<vmem>>)
      "tpu.region"() ({
        %run_scoped3A = tpu.sem_alloc : memref<!tpu.dma_semaphore, #tpu.memory_space<semaphore_mem>>
        %dma_start3A_36 = arith.constant 0 : i32
        %dma_start3A_37 = tpu.memref_slice %arg7[%scan3A_25, %dma_start3A_36] : memref<79x128xi32, #tpu.memory_space<vmem>> -> memref<1x128xi32, #tpu.memory_space<vmem>>
        %dma_start3A_38 = tpu.memref_squeeze %dma_start3A_37 : memref<1x128xi32, #tpu.memory_space<vmem>> -> memref<128xi32, #tpu.memory_space<vmem>>
        %dma_start3A_39 = arith.constant 0 : i32
        %dma_start3A_40 = arith.constant 0 : i32
        %dma_start3A_41 = tpu.memref_slice %arg9[%dma_start3A_39, %dma_start3A_40] : memref<10240x128xf32, #tpu.memory_space<vmem_shared>> -> memref<10240x128xf32, #tpu.memory_space<vmem_shared>>
        tpu.enqueue_indirect_dma source(%arg8 : memref<128x128xf32, #tpu.memory_space<vmem>>) target(%dma_start3A_41 : memref<10240x128xf32, #tpu.memory_space<vmem_shared>>) offsets(%dma_start3A_38 : memref<128xi32, #tpu.memory_space<vmem>>) semaphore(%run_scoped3A : memref<!tpu.dma_semaphore, #tpu.memory_space<semaphore_mem>>) {add = true}
        %dma_wait3A_42 = arith.constant 0 : i32
        %dma_wait3A_43 = tpu.memref_slice %arg7[%scan3A_25, %dma_wait3A_42] : memref<79x128xi32, #tpu.memory_space<vmem>> -> memref<1x128xi32, #tpu.memory_space<vmem>>
        %dma_wait3A_44 = tpu.memref_squeeze %dma_wait3A_43 : memref<1x128xi32, #tpu.memory_space<vmem>> -> memref<128xi32, #tpu.memory_space<vmem>>
        %dma_wait3A_45 = arith.constant 0 : i32
        %dma_wait3A_46 = arith.constant 0 : i32
        %dma_wait3A_47 = tpu.memref_slice %arg9[%dma_wait3A_45, %dma_wait3A_46] : memref<10240x128xf32, #tpu.memory_space<vmem_shared>> -> memref<10240x128xf32, #tpu.memory_space<vmem_shared>>
        tpu.wait_indirect_dma semaphore(%run_scoped3A : memref<!tpu.dma_semaphore, #tpu.memory_space<semaphore_mem>>) src(%arg8 : memref<128x128xf32, #tpu.memory_space<vmem>>) dst(%dma_wait3A_47 : memref<10240x128xf32, #tpu.memory_space<vmem_shared>>)
        tpu.yield
      }) : () -> ()
    }
    %scan3A_23 = arith.constant 79 : i32
    %barrier3A_24 = arith.constant 0 : index
    tpu.barrier barrier_id(%barrier3A_24)
    "tpu.region"() ({
      %run_scoped3A = tpu.sem_alloc : memref<!tpu.dma_semaphore, #tpu.memory_space<semaphore_mem>>
      %dma_start3A = arith.constant 0 : i32
      %dma_start3A_25 = tpu.memref_slice %arg5[%arg0, %mul3A_7, %dma_start3A] : memref<2x10240x128xf32, #tpu.memory_space<hbm>> -> memref<1x640x128xf32, #tpu.memory_space<hbm>>
      %dma_start3A_26 = tpu.memref_squeeze %dma_start3A_25 : memref<1x640x128xf32, #tpu.memory_space<hbm>> -> memref<640x128xf32, #tpu.memory_space<hbm>>
      %dma_start3A_27 = arith.constant 0 : i32
      %dma_start3A_28 = tpu.memref_slice %arg9[%mul3A_7, %dma_start3A_27] : memref<10240x128xf32, #tpu.memory_space<vmem_shared>> -> memref<640x128xf32, #tpu.memory_space<vmem_shared>>
      tpu.enqueue_dma source(%dma_start3A_28 : memref<640x128xf32, #tpu.memory_space<vmem_shared>>) target(%dma_start3A_26 : memref<640x128xf32, #tpu.memory_space<hbm>>) target_semaphore(%run_scoped3A : memref<!tpu.dma_semaphore, #tpu.memory_space<semaphore_mem>>)
      %dma_wait3A = arith.constant 0 : i32
      %dma_wait3A_29 = tpu.memref_slice %arg5[%arg0, %mul3A_7, %dma_wait3A] : memref<2x10240x128xf32, #tpu.memory_space<hbm>> -> memref<1x640x128xf32, #tpu.memory_space<hbm>>
      %dma_wait3A_30 = tpu.memref_squeeze %dma_wait3A_29 : memref<1x640x128xf32, #tpu.memory_space<hbm>> -> memref<640x128xf32, #tpu.memory_space<hbm>>
      %dma_wait3A_31 = arith.constant 0 : i32
      %dma_wait3A_32 = tpu.memref_slice %arg9[%mul3A_7, %dma_wait3A_31] : memref<10240x128xf32, #tpu.memory_space<vmem_shared>> -> memref<640x128xf32, #tpu.memory_space<vmem_shared>>
      tpu.wait_dma2 semaphore(%run_scoped3A : memref<!tpu.dma_semaphore, #tpu.memory_space<semaphore_mem>>) src(%dma_wait3A_32 : memref<640x128xf32, #tpu.memory_space<vmem_shared>>) dst(%dma_wait3A_30 : memref<640x128xf32, #tpu.memory_space<hbm>>)
      tpu.yield
    }) : () -> ()
    return
  }
}

module attributes {stable_mosaic.version = 14 : i64} {
  func.func @_enc_body(%arg0: i32, %arg1: memref<1000x128xf32, #tpu.memory_space<vmem>>, %arg2: memref<128x128xf32, #tpu.memory_space<vmem>>, %arg3: memref<1x128xf32, #tpu.memory_space<vmem>>, %arg4: memref<128x128xf32, #tpu.memory_space<vmem>>, %arg5: memref<1x128xf32, #tpu.memory_space<vmem>>, %arg6: memref<8x128x128xf32, #tpu.memory_space<vmem>>, %arg7: memref<128x128xf32, #tpu.memory_space<vmem>>, %arg8: memref<1x128xf32, #tpu.memory_space<vmem>>, %arg9: memref<1000x128xf32, #tpu.memory_space<vmem>>, %arg10: memref<1000x128xf32, #tpu.memory_space<vmem>>, %arg11: memref<1000x128xf32, #tpu.memory_space<vmem>>, %arg12: memref<8x1000x128xf32, #tpu.memory_space<vmem>>) attributes {dimension_semantics = [#tpu.dimension_semantics<arbitrary>], iteration_bounds = array<i64: 10>, scalar_prefetch = 0 : i64, scratch_operands = 0 : i64, tpu.core_type = #tpu.core_type<tc>, window_params = [{transform_indices = @transform_0, window_bounds = array<i64: 1000, 128>}, {pipeline_mode = #tpu.pipeline_mode<synchronous>, transform_indices = @transform_1, window_bounds = array<i64: 128, 128>}, {pipeline_mode = #tpu.pipeline_mode<synchronous>, transform_indices = @transform_2, window_bounds = array<i64: 1, 128>}, {pipeline_mode = #tpu.pipeline_mode<synchronous>, transform_indices = @transform_3, window_bounds = array<i64: 128, 128>}, {pipeline_mode = #tpu.pipeline_mode<synchronous>, transform_indices = @transform_4, window_bounds = array<i64: 1, 128>}, {pipeline_mode = #tpu.pipeline_mode<synchronous>, transform_indices = @transform_5, window_bounds = array<i64: 8, 128, 128>}, {pipeline_mode = #tpu.pipeline_mode<synchronous>, transform_indices = @transform_6, window_bounds = array<i64: 128, 128>}, {pipeline_mode = #tpu.pipeline_mode<synchronous>, transform_indices = @transform_7, window_bounds = array<i64: 1, 128>}, {transform_indices = @transform_8, window_bounds = array<i64: 1000, 128>}, {transform_indices = @transform_9, window_bounds = array<i64: 1000, 128>}, {transform_indices = @transform_10, window_bounds = array<i64: 1000, 128>}, {transform_indices = @transform_11, window_bounds = array<i64: 8, 1000, 128>}]} {
    %get3A = arith.constant 0 : index
    %get3A_0 = arith.constant 0 : index
    %get3A_1 = vector.load %arg1[%get3A, %get3A_0] : memref<1000x128xf32, #tpu.memory_space<vmem>>, vector<1000x128xf32>
    %get3A_2 = arith.constant 0 : index
    %get3A_3 = arith.constant 0 : index
    %get3A_4 = vector.load %arg2[%get3A_2, %get3A_3] : memref<128x128xf32, #tpu.memory_space<vmem>>, vector<128x128xf32>
    %dot_general3A = arith.constant dense<0.000000e+00> : vector<1000x128xf32>
    %dot_general3A_5 = tpu.matmul %get3A_1, %get3A_4, %dot_general3A {dimension_numbers = #tpu.dot_dimension_numbers<[1], [0], [0], [1], [0, 0, 1, 1], [], []>, transpose_lhs_hint = false} : vector<1000x128xf32>, vector<128x128xf32>, vector<1000x128xf32> -> vector<1000x128xf32>
    %get3A_6 = arith.constant 0 : index
    %get3A_7 = arith.constant 0 : index
    %get3A_8 = vector.load %arg3[%get3A_6, %get3A_7] : memref<1x128xf32, #tpu.memory_space<vmem>>, vector<1x128xf32>
    %add3A = vector.broadcast %get3A_8 : vector<1x128xf32> to vector<1000x128xf32>
    %add3A_9 = arith.addf %dot_general3A_5, %add3A : vector<1000x128xf32>
    %max3A = arith.constant 0.000000e+00 : f32
    %max3A_10 = vector.broadcast %max3A : f32 to vector<1000x128xf32>
    %max3A_11 = arith.maximumf %add3A_9, %max3A_10 : vector<1000x128xf32>
    %swap3A = arith.constant 0 : index
    %swap3A_12 = arith.constant 0 : index
    %swap3A_13 = vector.load %arg9[%swap3A, %swap3A_12] : memref<1000x128xf32, #tpu.memory_space<vmem>>, vector<1000x128xf32>
    tpu.vector_store %arg9[%swap3A, %swap3A_12], %max3A_11 {strides = array<i32>} : memref<1000x128xf32, #tpu.memory_space<vmem>>, vector<1000x128xf32>,
    %get3A_14 = arith.constant 0 : index
    %get3A_15 = arith.constant 0 : index
    %get3A_16 = vector.load %arg4[%get3A_14, %get3A_15] : memref<128x128xf32, #tpu.memory_space<vmem>>, vector<128x128xf32>
    %dot_general3A_17 = arith.constant dense<0.000000e+00> : vector<1000x128xf32>
    %dot_general3A_18 = tpu.matmul %max3A_11, %get3A_16, %dot_general3A_17 {dimension_numbers = #tpu.dot_dimension_numbers<[1], [0], [0], [1], [0, 0, 1, 1], [], []>, transpose_lhs_hint = false} : vector<1000x128xf32>, vector<128x128xf32>, vector<1000x128xf32> -> vector<1000x128xf32>
    %get3A_19 = arith.constant 0 : index
    %get3A_20 = arith.constant 0 : index
    %get3A_21 = vector.load %arg5[%get3A_19, %get3A_20] : memref<1x128xf32, #tpu.memory_space<vmem>>, vector<1x128xf32>
    %add3A_22 = vector.broadcast %get3A_21 : vector<1x128xf32> to vector<1000x128xf32>
    %add3A_23 = arith.addf %dot_general3A_18, %add3A_22 : vector<1000x128xf32>
    %swap3A_24 = arith.constant 0 : index
    %swap3A_25 = arith.constant 0 : index
    %swap3A_26 = vector.load %arg10[%swap3A_24, %swap3A_25] : memref<1000x128xf32, #tpu.memory_space<vmem>>, vector<1000x128xf32>
    tpu.vector_store %arg10[%swap3A_24, %swap3A_25], %add3A_23 {strides = array<i32>} : memref<1000x128xf32, #tpu.memory_space<vmem>>, vector<1000x128xf32>,
    %get3A_27 = arith.constant 0 : index
    %get3A_28 = arith.constant 0 : index
    %get3A_29 = vector.load %arg7[%get3A_27, %get3A_28] : memref<128x128xf32, #tpu.memory_space<vmem>>, vector<128x128xf32>
    %dot_general3A_30 = arith.constant dense<0.000000e+00> : vector<1000x128xf32>
    %dot_general3A_31 = tpu.matmul %max3A_11, %get3A_29, %dot_general3A_30 {dimension_numbers = #tpu.dot_dimension_numbers<[1], [0], [0], [1], [0, 0, 1, 1], [], []>, transpose_lhs_hint = false} : vector<1000x128xf32>, vector<128x128xf32>, vector<1000x128xf32> -> vector<1000x128xf32>
    %get3A_32 = arith.constant 0 : index
    %get3A_33 = arith.constant 0 : index
    %get3A_34 = vector.load %arg8[%get3A_32, %get3A_33] : memref<1x128xf32, #tpu.memory_space<vmem>>, vector<1x128xf32>
    %add3A_35 = vector.broadcast %get3A_34 : vector<1x128xf32> to vector<1000x128xf32>
    %add3A_36 = arith.addf %dot_general3A_31, %add3A_35 : vector<1000x128xf32>
    %swap3A_37 = arith.constant 0 : index
    %swap3A_38 = arith.constant 0 : index
    %swap3A_39 = vector.load %arg11[%swap3A_37, %swap3A_38] : memref<1000x128xf32, #tpu.memory_space<vmem>>, vector<1000x128xf32>
    tpu.vector_store %arg11[%swap3A_37, %swap3A_38], %add3A_36 {strides = array<i32>} : memref<1000x128xf32, #tpu.memory_space<vmem>>, vector<1000x128xf32>,
    %get3A_40 = arith.constant 0 : index
    %get3A_41 = arith.constant 0 : index
    %get3A_42 = arith.constant 0 : index
    %get3A_43 = vector.load %arg6[%get3A_40, %get3A_41, %get3A_42] : memref<8x128x128xf32, #tpu.memory_space<vmem>>, vector<1x128x128xf32>
    %get3A_44 = vector.shape_cast %get3A_43 : vector<1x128x128xf32> to vector<128x128xf32>
    %dot_general3A_45 = arith.constant dense<0.000000e+00> : vector<1000x128xf32>
    %dot_general3A_46 = tpu.matmul %max3A_11, %get3A_44, %dot_general3A_45 {dimension_numbers = #tpu.dot_dimension_numbers<[1], [0], [0], [1], [0, 0, 1, 1], [], []>, transpose_lhs_hint = false} : vector<1000x128xf32>, vector<128x128xf32>, vector<1000x128xf32> -> vector<1000x128xf32>
    %swap3A_47 = arith.constant 0 : index
    %swap3A_48 = arith.constant 0 : index
    %swap3A_49 = arith.constant 0 : index
    %swap3A_50 = vector.load %arg12[%swap3A_47, %swap3A_48, %swap3A_49] : memref<8x1000x128xf32, #tpu.memory_space<vmem>>, vector<1x1000x128xf32>
    %swap3A_51 = vector.shape_cast %swap3A_50 : vector<1x1000x128xf32> to vector<1000x128xf32>
    %swap3A_52 = vector.shape_cast %dot_general3A_46 : vector<1000x128xf32> to vector<1x1000x128xf32>
    tpu.vector_store %arg12[%swap3A_47, %swap3A_48, %swap3A_49], %swap3A_52 {strides = array<i32>} : memref<8x1000x128xf32, #tpu.memory_space<vmem>>, vector<1x1000x128xf32>,
    %get3A_53 = arith.constant 1 : index
    %get3A_54 = arith.constant 0 : index
    %get3A_55 = arith.constant 0 : index
    %get3A_56 = vector.load %arg6[%get3A_53, %get3A_54, %get3A_55] : memref<8x128x128xf32, #tpu.memory_space<vmem>>, vector<1x128x128xf32>
    %get3A_57 = vector.shape_cast %get3A_56 : vector<1x128x128xf32> to vector<128x128xf32>
    %dot_general3A_58 = arith.constant dense<0.000000e+00> : vector<1000x128xf32>
    %dot_general3A_59 = tpu.matmul %max3A_11, %get3A_57, %dot_general3A_58 {dimension_numbers = #tpu.dot_dimension_numbers<[1], [0], [0], [1], [0, 0, 1, 1], [], []>, transpose_lhs_hint = false} : vector<1000x128xf32>, vector<128x128xf32>, vector<1000x128xf32> -> vector<1000x128xf32>
    %swap3A_60 = arith.constant 1 : index
    %swap3A_61 = arith.constant 0 : index
    %swap3A_62 = arith.constant 0 : index
    %swap3A_63 = vector.load %arg12[%swap3A_60, %swap3A_61, %swap3A_62] : memref<8x1000x128xf32, #tpu.memory_space<vmem>>, vector<1x1000x128xf32>
    %swap3A_64 = vector.shape_cast %swap3A_63 : vector<1x1000x128xf32> to vector<1000x128xf32>
    %swap3A_65 = vector.shape_cast %dot_general3A_59 : vector<1000x128xf32> to vector<1x1000x128xf32>
    tpu.vector_store %arg12[%swap3A_60, %swap3A_61, %swap3A_62], %swap3A_65 {strides = array<i32>} : memref<8x1000x128xf32, #tpu.memory_space<vmem>>, vector<1x1000x128xf32>,
    %get3A_66 = arith.constant 2 : index
    %get3A_67 = arith.constant 0 : index
    %get3A_68 = arith.constant 0 : index
    %get3A_69 = vector.load %arg6[%get3A_66, %get3A_67, %get3A_68] : memref<8x128x128xf32, #tpu.memory_space<vmem>>, vector<1x128x128xf32>
    %get3A_70 = vector.shape_cast %get3A_69 : vector<1x128x128xf32> to vector<128x128xf32>
    %dot_general3A_71 = arith.constant dense<0.000000e+00> : vector<1000x128xf32>
    %dot_general3A_72 = tpu.matmul %max3A_11, %get3A_70, %dot_general3A_71 {dimension_numbers = #tpu.dot_dimension_numbers<[1], [0], [0], [1], [0, 0, 1, 1], [], []>, transpose_lhs_hint = false} : vector<1000x128xf32>, vector<128x128xf32>, vector<1000x128xf32> -> vector<1000x128xf32>
    %swap3A_73 = arith.constant 2 : index
    %swap3A_74 = arith.constant 0 : index
    %swap3A_75 = arith.constant 0 : index
    %swap3A_76 = vector.load %arg12[%swap3A_73, %swap3A_74, %swap3A_75] : memref<8x1000x128xf32, #tpu.memory_space<vmem>>, vector<1x1000x128xf32>
    %swap3A_77 = vector.shape_cast %swap3A_76 : vector<1x1000x128xf32> to vector<1000x128xf32>
    %swap3A_78 = vector.shape_cast %dot_general3A_72 : vector<1000x128xf32> to vector<1x1000x128xf32>
    tpu.vector_store %arg12[%swap3A_73, %swap3A_74, %swap3A_75], %swap3A_78 {strides = array<i32>} : memref<8x1000x128xf32, #tpu.memory_space<vmem>>, vector<1x1000x128xf32>,
    %get3A_79 = arith.constant 3 : index
    %get3A_80 = arith.constant 0 : index
    %get3A_81 = arith.constant 0 : index
    %get3A_82 = vector.load %arg6[%get3A_79, %get3A_80, %get3A_81] : memref<8x128x128xf32, #tpu.memory_space<vmem>>, vector<1x128x128xf32>
    %get3A_83 = vector.shape_cast %get3A_82 : vector<1x128x128xf32> to vector<128x128xf32>
    %dot_general3A_84 = arith.constant dense<0.000000e+00> : vector<1000x128xf32>
    %dot_general3A_85 = tpu.matmul %max3A_11, %get3A_83, %dot_general3A_84 {dimension_numbers = #tpu.dot_dimension_numbers<[1], [0], [0], [1], [0, 0, 1, 1], [], []>, transpose_lhs_hint = false} : vector<1000x128xf32>, vector<128x128xf32>, vector<1000x128xf32> -> vector<1000x128xf32>
    %swap3A_86 = arith.constant 3 : index
    %swap3A_87 = arith.constant 0 : index
    %swap3A_88 = arith.constant 0 : index
    %swap3A_89 = vector.load %arg12[%swap3A_86, %swap3A_87, %swap3A_88] : memref<8x1000x128xf32, #tpu.memory_space<vmem>>, vector<1x1000x128xf32>
    %swap3A_90 = vector.shape_cast %swap3A_89 : vector<1x1000x128xf32> to vector<1000x128xf32>
    %swap3A_91 = vector.shape_cast %dot_general3A_85 : vector<1000x128xf32> to vector<1x1000x128xf32>
    tpu.vector_store %arg12[%swap3A_86, %swap3A_87, %swap3A_88], %swap3A_91 {strides = array<i32>} : memref<8x1000x128xf32, #tpu.memory_space<vmem>>, vector<1x1000x128xf32>,
    %get3A_92 = arith.constant 4 : index
    %get3A_93 = arith.constant 0 : index
    %get3A_94 = arith.constant 0 : index
    %get3A_95 = vector.load %arg6[%get3A_92, %get3A_93, %get3A_94] : memref<8x128x128xf32, #tpu.memory_space<vmem>>, vector<1x128x128xf32>
    %get3A_96 = vector.shape_cast %get3A_95 : vector<1x128x128xf32> to vector<128x128xf32>
    %dot_general3A_97 = arith.constant dense<0.000000e+00> : vector<1000x128xf32>
    %dot_general3A_98 = tpu.matmul %max3A_11, %get3A_96, %dot_general3A_97 {dimension_numbers = #tpu.dot_dimension_numbers<[1], [0], [0], [1], [0, 0, 1, 1], [], []>, transpose_lhs_hint = false} : vector<1000x128xf32>, vector<128x128xf32>, vector<1000x128xf32> -> vector<1000x128xf32>
    %swap3A_99 = arith.constant 4 : index
    %swap3A_100 = arith.constant 0 : index
    %swap3A_101 = arith.constant 0 : index
    %swap3A_102 = vector.load %arg12[%swap3A_99, %swap3A_100, %swap3A_101] : memref<8x1000x128xf32, #tpu.memory_space<vmem>>, vector<1x1000x128xf32>
    %swap3A_103 = vector.shape_cast %swap3A_102 : vector<1x1000x128xf32> to vector<1000x128xf32>
    %swap3A_104 = vector.shape_cast %dot_general3A_98 : vector<1000x128xf32> to vector<1x1000x128xf32>
    tpu.vector_store %arg12[%swap3A_99, %swap3A_100, %swap3A_101], %swap3A_104 {strides = array<i32>} : memref<8x1000x128xf32, #tpu.memory_space<vmem>>, vector<1x1000x128xf32>,
    %get3A_105 = arith.constant 5 : index
    %get3A_106 = arith.constant 0 : index
    %get3A_107 = arith.constant 0 : index
    %get3A_108 = vector.load %arg6[%get3A_105, %get3A_106, %get3A_107] : memref<8x128x128xf32, #tpu.memory_space<vmem>>, vector<1x128x128xf32>
    %get3A_109 = vector.shape_cast %get3A_108 : vector<1x128x128xf32> to vector<128x128xf32>
    %dot_general3A_110 = arith.constant dense<0.000000e+00> : vector<1000x128xf32>
    %dot_general3A_111 = tpu.matmul %max3A_11, %get3A_109, %dot_general3A_110 {dimension_numbers = #tpu.dot_dimension_numbers<[1], [0], [0], [1], [0, 0, 1, 1], [], []>, transpose_lhs_hint = false} : vector<1000x128xf32>, vector<128x128xf32>, vector<1000x128xf32> -> vector<1000x128xf32>
    %swap3A_112 = arith.constant 5 : index
    %swap3A_113 = arith.constant 0 : index
    %swap3A_114 = arith.constant 0 : index
    %swap3A_115 = vector.load %arg12[%swap3A_112, %swap3A_113, %swap3A_114] : memref<8x1000x128xf32, #tpu.memory_space<vmem>>, vector<1x1000x128xf32>
    %swap3A_116 = vector.shape_cast %swap3A_115 : vector<1x1000x128xf32> to vector<1000x128xf32>
    %swap3A_117 = vector.shape_cast %dot_general3A_111 : vector<1000x128xf32> to vector<1x1000x128xf32>
    tpu.vector_store %arg12[%swap3A_112, %swap3A_113, %swap3A_114], %swap3A_117 {strides = array<i32>} : memref<8x1000x128xf32, #tpu.memory_space<vmem>>, vector<1x1000x128xf32>,
    %get3A_118 = arith.constant 6 : index
    %get3A_119 = arith.constant 0 : index
    %get3A_120 = arith.constant 0 : index
    %get3A_121 = vector.load %arg6[%get3A_118, %get3A_119, %get3A_120] : memref<8x128x128xf32, #tpu.memory_space<vmem>>, vector<1x128x128xf32>
    %get3A_122 = vector.shape_cast %get3A_121 : vector<1x128x128xf32> to vector<128x128xf32>
    %dot_general3A_123 = arith.constant dense<0.000000e+00> : vector<1000x128xf32>
    %dot_general3A_124 = tpu.matmul %max3A_11, %get3A_122, %dot_general3A_123 {dimension_numbers = #tpu.dot_dimension_numbers<[1], [0], [0], [1], [0, 0, 1, 1], [], []>, transpose_lhs_hint = false} : vector<1000x128xf32>, vector<128x128xf32>, vector<1000x128xf32> -> vector<1000x128xf32>
    %swap3A_125 = arith.constant 6 : index
    %swap3A_126 = arith.constant 0 : index
    %swap3A_127 = arith.constant 0 : index
    %swap3A_128 = vector.load %arg12[%swap3A_125, %swap3A_126, %swap3A_127] : memref<8x1000x128xf32, #tpu.memory_space<vmem>>, vector<1x1000x128xf32>
    %swap3A_129 = vector.shape_cast %swap3A_128 : vector<1x1000x128xf32> to vector<1000x128xf32>
    %swap3A_130 = vector.shape_cast %dot_general3A_124 : vector<1000x128xf32> to vector<1x1000x128xf32>
    tpu.vector_store %arg12[%swap3A_125, %swap3A_126, %swap3A_127], %swap3A_130 {strides = array<i32>} : memref<8x1000x128xf32, #tpu.memory_space<vmem>>, vector<1x1000x128xf32>,
    %get3A_131 = arith.constant 7 : index
    %get3A_132 = arith.constant 0 : index
    %get3A_133 = arith.constant 0 : index
    %get3A_134 = vector.load %arg6[%get3A_131, %get3A_132, %get3A_133] : memref<8x128x128xf32, #tpu.memory_space<vmem>>, vector<1x128x128xf32>
    %get3A_135 = vector.shape_cast %get3A_134 : vector<1x128x128xf32> to vector<128x128xf32>
    %dot_general3A_136 = arith.constant dense<0.000000e+00> : vector<1000x128xf32>
    %dot_general3A_137 = tpu.matmul %max3A_11, %get3A_135, %dot_general3A_136 {dimension_numbers = #tpu.dot_dimension_numbers<[1], [0], [0], [1], [0, 0, 1, 1], [], []>, transpose_lhs_hint = false} : vector<1000x128xf32>, vector<128x128xf32>, vector<1000x128xf32> -> vector<1000x128xf32>
    %swap3A_138 = arith.constant 7 : index
    %swap3A_139 = arith.constant 0 : index
    %swap3A_140 = arith.constant 0 : index
    %swap3A_141 = vector.load %arg12[%swap3A_138, %swap3A_139, %swap3A_140] : memref<8x1000x128xf32, #tpu.memory_space<vmem>>, vector<1x1000x128xf32>
    %swap3A_142 = vector.shape_cast %swap3A_141 : vector<1x1000x128xf32> to vector<1000x128xf32>
    %swap3A_143 = vector.shape_cast %dot_general3A_137 : vector<1000x128xf32> to vector<1x1000x128xf32>
    tpu.vector_store %arg12[%swap3A_138, %swap3A_139, %swap3A_140], %swap3A_143 {strides = array<i32>} : memref<8x1000x128xf32, #tpu.memory_space<vmem>>, vector<1x1000x128xf32>,
    return
  }
  func.func @transform_0(%arg0: i32) -> (i32, i32) {
    %c0_i32 = arith.constant 0 : i32
    %c0_i32_0 = arith.constant 0 : i32
    return %arg0, %c0_i32 : i32, i32
  }
  func.func @transform_1(%arg0: i32) -> (i32, i32) {
    %c0_i32 = arith.constant 0 : i32
    %c0_i32_0 = arith.constant 0 : i32
    %c0_i32_1 = arith.constant 0 : i32
    return %c0_i32, %c0_i32_0 : i32, i32
  }
  func.func @transform_2(%arg0: i32) -> (i32, i32) {
    %c0_i32 = arith.constant 0 : i32
    %c0_i32_0 = arith.constant 0 : i32
    %c0_i32_1 = arith.constant 0 : i32
    return %c0_i32, %c0_i32_0 : i32, i32
  }
  func.func @transform_3(%arg0: i32) -> (i32, i32) {
    %c0_i32 = arith.constant 0 : i32
    %c0_i32_0 = arith.constant 0 : i32
    %c0_i32_1 = arith.constant 0 : i32
    return %c0_i32, %c0_i32_0 : i32, i32
  }
  func.func @transform_4(%arg0: i32) -> (i32, i32) {
    %c0_i32 = arith.constant 0 : i32
    %c0_i32_0 = arith.constant 0 : i32
    %c0_i32_1 = arith.constant 0 : i32
    return %c0_i32, %c0_i32_0 : i32, i32
  }
  func.func @transform_5(%arg0: i32) -> (i32, i32, i32) {
    %c0_i32 = arith.constant 0 : i32
    %c0_i32_0 = arith.constant 0 : i32
    %c0_i32_1 = arith.constant 0 : i32
    %c0_i32_2 = arith.constant 0 : i32
    return %c0_i32, %c0_i32_0, %c0_i32_1 : i32, i32, i32
  }
  func.func @transform_6(%arg0: i32) -> (i32, i32) {
    %c0_i32 = arith.constant 0 : i32
    %c0_i32_0 = arith.constant 0 : i32
    %c0_i32_1 = arith.constant 0 : i32
    return %c0_i32, %c0_i32_0 : i32, i32
  }
  func.func @transform_7(%arg0: i32) -> (i32, i32) {
    %c0_i32 = arith.constant 0 : i32
    %c0_i32_0 = arith.constant 0 : i32
    %c0_i32_1 = arith.constant 0 : i32
    return %c0_i32, %c0_i32_0 : i32, i32
  }
  func.func @transform_8(%arg0: i32) -> (i32, i32) {
    %c0_i32 = arith.constant 0 : i32
    %c0_i32_0 = arith.constant 0 : i32
    return %arg0, %c0_i32 : i32, i32
  }
  func.func @transform_9(%arg0: i32) -> (i32, i32) {
    %c0_i32 = arith.constant 0 : i32
    %c0_i32_0 = arith.constant 0 : i32
    return %arg0, %c0_i32 : i32, i32
  }
  func.func @transform_10(%arg0: i32) -> (i32, i32) {
    %c0_i32 = arith.constant 0 : i32
    %c0_i32_0 = arith.constant 0 : i32
    return %arg0, %c0_i32 : i32, i32
  }
  func.func @transform_11(%arg0: i32) -> (i32, i32, i32) {
    %c0_i32 = arith.constant 0 : i32
    %c0_i32_0 = arith.constant 0 : i32
    %c0_i32_1 = arith.constant 0 : i32
    return %c0_i32, %arg0, %c0_i32_0 : i32, i32, i32
  }
}

module attributes {stable_mosaic.version = 14 : i64} {
  func.func @_mid_body(%arg0: i32, %arg1: memref<2x1000x128xf32, #tpu.memory_space<vmem>>, %arg2: memref<1000x128xf32, #tpu.memory_space<vmem>>, %arg3: memref<8x128x128xf32, #tpu.memory_space<vmem>>, %arg4: memref<128x128xf32, #tpu.memory_space<vmem>>, %arg5: memref<1x128xf32, #tpu.memory_space<vmem>>, %arg6: memref<1000x128xf32, #tpu.memory_space<vmem>>, %arg7: memref<8x1000x128xf32, #tpu.memory_space<vmem>>) attributes {dimension_semantics = [#tpu.dimension_semantics<arbitrary>], iteration_bounds = array<i64: 10>, scalar_prefetch = 0 : i64, scratch_operands = 0 : i64, tpu.core_type = #tpu.core_type<tc>, window_params = [{transform_indices = @transform_0, window_bounds = array<i64: 2, 1000, 128>}, {transform_indices = @transform_1, window_bounds = array<i64: 1000, 128>}, {pipeline_mode = #tpu.pipeline_mode<synchronous>, transform_indices = @transform_2, window_bounds = array<i64: 8, 128, 128>}, {pipeline_mode = #tpu.pipeline_mode<synchronous>, transform_indices = @transform_3, window_bounds = array<i64: 128, 128>}, {pipeline_mode = #tpu.pipeline_mode<synchronous>, transform_indices = @transform_4, window_bounds = array<i64: 1, 128>}, {transform_indices = @transform_5, window_bounds = array<i64: 1000, 128>}, {transform_indices = @transform_6, window_bounds = array<i64: 8, 1000, 128>}]} {
    %get3A = arith.constant 0 : index
    %get3A_0 = arith.constant 0 : index
    %get3A_1 = arith.constant 0 : index
    %get3A_2 = vector.load %arg1[%get3A, %get3A_0, %get3A_1] : memref<2x1000x128xf32, #tpu.memory_space<vmem>>, vector<1x1000x128xf32>
    %get3A_3 = vector.shape_cast %get3A_2 : vector<1x1000x128xf32> to vector<1000x128xf32>
    %get3A_4 = arith.constant 1 : index
    %get3A_5 = arith.constant 0 : index
    %get3A_6 = arith.constant 0 : index
    %get3A_7 = vector.load %arg1[%get3A_4, %get3A_5, %get3A_6] : memref<2x1000x128xf32, #tpu.memory_space<vmem>>, vector<1x1000x128xf32>
    %get3A_8 = vector.shape_cast %get3A_7 : vector<1x1000x128xf32> to vector<1000x128xf32>
    %add3A = arith.addf %get3A_3, %get3A_8 : vector<1000x128xf32>
    %get3A_9 = arith.constant 0 : index
    %get3A_10 = arith.constant 0 : index
    %get3A_11 = vector.load %arg2[%get3A_9, %get3A_10] : memref<1000x128xf32, #tpu.memory_space<vmem>>, vector<1000x128xf32>
    %add3A_12 = arith.addf %add3A, %get3A_11 : vector<1000x128xf32>
    %max3A = arith.constant 0.000000e+00 : f32
    %max3A_13 = vector.broadcast %max3A : f32 to vector<1000x128xf32>
    %max3A_14 = arith.maximumf %add3A_12, %max3A_13 : vector<1000x128xf32>
    %get3A_15 = arith.constant 0 : index
    %get3A_16 = arith.constant 0 : index
    %get3A_17 = vector.load %arg4[%get3A_15, %get3A_16] : memref<128x128xf32, #tpu.memory_space<vmem>>, vector<128x128xf32>
    %dot_general3A = arith.constant dense<0.000000e+00> : vector<1000x128xf32>
    %dot_general3A_18 = tpu.matmul %max3A_14, %get3A_17, %dot_general3A {dimension_numbers = #tpu.dot_dimension_numbers<[1], [0], [0], [1], [0, 0, 1, 1], [], []>, transpose_lhs_hint = false} : vector<1000x128xf32>, vector<128x128xf32>, vector<1000x128xf32> -> vector<1000x128xf32>
    %get3A_19 = arith.constant 0 : index
    %get3A_20 = arith.constant 0 : index
    %get3A_21 = vector.load %arg5[%get3A_19, %get3A_20] : memref<1x128xf32, #tpu.memory_space<vmem>>, vector<1x128xf32>
    %add3A_22 = vector.broadcast %get3A_21 : vector<1x128xf32> to vector<1000x128xf32>
    %add3A_23 = arith.addf %dot_general3A_18, %add3A_22 : vector<1000x128xf32>
    %swap3A = arith.constant 0 : index
    %swap3A_24 = arith.constant 0 : index
    %swap3A_25 = vector.load %arg6[%swap3A, %swap3A_24] : memref<1000x128xf32, #tpu.memory_space<vmem>>, vector<1000x128xf32>
    tpu.vector_store %arg6[%swap3A, %swap3A_24], %add3A_23 {strides = array<i32>} : memref<1000x128xf32, #tpu.memory_space<vmem>>, vector<1000x128xf32>,
    %get3A_26 = arith.constant 0 : index
    %get3A_27 = arith.constant 0 : index
    %get3A_28 = arith.constant 0 : index
    %get3A_29 = vector.load %arg3[%get3A_26, %get3A_27, %get3A_28] : memref<8x128x128xf32, #tpu.memory_space<vmem>>, vector<1x128x128xf32>
    %get3A_30 = vector.shape_cast %get3A_29 : vector<1x128x128xf32> to vector<128x128xf32>
    %dot_general3A_31 = arith.constant dense<0.000000e+00> : vector<1000x128xf32>
    %dot_general3A_32 = tpu.matmul %max3A_14, %get3A_30, %dot_general3A_31 {dimension_numbers = #tpu.dot_dimension_numbers<[1], [0], [0], [1], [0, 0, 1, 1], [], []>, transpose_lhs_hint = false} : vector<1000x128xf32>, vector<128x128xf32>, vector<1000x128xf32> -> vector<1000x128xf32>
    %swap3A_33 = arith.constant 0 : index
    %swap3A_34 = arith.constant 0 : index
    %swap3A_35 = arith.constant 0 : index
    %swap3A_36 = vector.load %arg7[%swap3A_33, %swap3A_34, %swap3A_35] : memref<8x1000x128xf32, #tpu.memory_space<vmem>>, vector<1x1000x128xf32>
    %swap3A_37 = vector.shape_cast %swap3A_36 : vector<1x1000x128xf32> to vector<1000x128xf32>
    %swap3A_38 = vector.shape_cast %dot_general3A_32 : vector<1000x128xf32> to vector<1x1000x128xf32>
    tpu.vector_store %arg7[%swap3A_33, %swap3A_34, %swap3A_35], %swap3A_38 {strides = array<i32>} : memref<8x1000x128xf32, #tpu.memory_space<vmem>>, vector<1x1000x128xf32>,
    %get3A_39 = arith.constant 1 : index
    %get3A_40 = arith.constant 0 : index
    %get3A_41 = arith.constant 0 : index
    %get3A_42 = vector.load %arg3[%get3A_39, %get3A_40, %get3A_41] : memref<8x128x128xf32, #tpu.memory_space<vmem>>, vector<1x128x128xf32>
    %get3A_43 = vector.shape_cast %get3A_42 : vector<1x128x128xf32> to vector<128x128xf32>
    %dot_general3A_44 = arith.constant dense<0.000000e+00> : vector<1000x128xf32>
    %dot_general3A_45 = tpu.matmul %max3A_14, %get3A_43, %dot_general3A_44 {dimension_numbers = #tpu.dot_dimension_numbers<[1], [0], [0], [1], [0, 0, 1, 1], [], []>, transpose_lhs_hint = false} : vector<1000x128xf32>, vector<128x128xf32>, vector<1000x128xf32> -> vector<1000x128xf32>
    %swap3A_46 = arith.constant 1 : index
    %swap3A_47 = arith.constant 0 : index
    %swap3A_48 = arith.constant 0 : index
    %swap3A_49 = vector.load %arg7[%swap3A_46, %swap3A_47, %swap3A_48] : memref<8x1000x128xf32, #tpu.memory_space<vmem>>, vector<1x1000x128xf32>
    %swap3A_50 = vector.shape_cast %swap3A_49 : vector<1x1000x128xf32> to vector<1000x128xf32>
    %swap3A_51 = vector.shape_cast %dot_general3A_45 : vector<1000x128xf32> to vector<1x1000x128xf32>
    tpu.vector_store %arg7[%swap3A_46, %swap3A_47, %swap3A_48], %swap3A_51 {strides = array<i32>} : memref<8x1000x128xf32, #tpu.memory_space<vmem>>, vector<1x1000x128xf32>,
    %get3A_52 = arith.constant 2 : index
    %get3A_53 = arith.constant 0 : index
    %get3A_54 = arith.constant 0 : index
    %get3A_55 = vector.load %arg3[%get3A_52, %get3A_53, %get3A_54] : memref<8x128x128xf32, #tpu.memory_space<vmem>>, vector<1x128x128xf32>
    %get3A_56 = vector.shape_cast %get3A_55 : vector<1x128x128xf32> to vector<128x128xf32>
    %dot_general3A_57 = arith.constant dense<0.000000e+00> : vector<1000x128xf32>
    %dot_general3A_58 = tpu.matmul %max3A_14, %get3A_56, %dot_general3A_57 {dimension_numbers = #tpu.dot_dimension_numbers<[1], [0], [0], [1], [0, 0, 1, 1], [], []>, transpose_lhs_hint = false} : vector<1000x128xf32>, vector<128x128xf32>, vector<1000x128xf32> -> vector<1000x128xf32>
    %swap3A_59 = arith.constant 2 : index
    %swap3A_60 = arith.constant 0 : index
    %swap3A_61 = arith.constant 0 : index
    %swap3A_62 = vector.load %arg7[%swap3A_59, %swap3A_60, %swap3A_61] : memref<8x1000x128xf32, #tpu.memory_space<vmem>>, vector<1x1000x128xf32>
    %swap3A_63 = vector.shape_cast %swap3A_62 : vector<1x1000x128xf32> to vector<1000x128xf32>
    %swap3A_64 = vector.shape_cast %dot_general3A_58 : vector<1000x128xf32> to vector<1x1000x128xf32>
    tpu.vector_store %arg7[%swap3A_59, %swap3A_60, %swap3A_61], %swap3A_64 {strides = array<i32>} : memref<8x1000x128xf32, #tpu.memory_space<vmem>>, vector<1x1000x128xf32>,
    %get3A_65 = arith.constant 3 : index
    %get3A_66 = arith.constant 0 : index
    %get3A_67 = arith.constant 0 : index
    %get3A_68 = vector.load %arg3[%get3A_65, %get3A_66, %get3A_67] : memref<8x128x128xf32, #tpu.memory_space<vmem>>, vector<1x128x128xf32>
    %get3A_69 = vector.shape_cast %get3A_68 : vector<1x128x128xf32> to vector<128x128xf32>
    %dot_general3A_70 = arith.constant dense<0.000000e+00> : vector<1000x128xf32>
    %dot_general3A_71 = tpu.matmul %max3A_14, %get3A_69, %dot_general3A_70 {dimension_numbers = #tpu.dot_dimension_numbers<[1], [0], [0], [1], [0, 0, 1, 1], [], []>, transpose_lhs_hint = false} : vector<1000x128xf32>, vector<128x128xf32>, vector<1000x128xf32> -> vector<1000x128xf32>
    %swap3A_72 = arith.constant 3 : index
    %swap3A_73 = arith.constant 0 : index
    %swap3A_74 = arith.constant 0 : index
    %swap3A_75 = vector.load %arg7[%swap3A_72, %swap3A_73, %swap3A_74] : memref<8x1000x128xf32, #tpu.memory_space<vmem>>, vector<1x1000x128xf32>
    %swap3A_76 = vector.shape_cast %swap3A_75 : vector<1x1000x128xf32> to vector<1000x128xf32>
    %swap3A_77 = vector.shape_cast %dot_general3A_71 : vector<1000x128xf32> to vector<1x1000x128xf32>
    tpu.vector_store %arg7[%swap3A_72, %swap3A_73, %swap3A_74], %swap3A_77 {strides = array<i32>} : memref<8x1000x128xf32, #tpu.memory_space<vmem>>, vector<1x1000x128xf32>,
    %get3A_78 = arith.constant 4 : index
    %get3A_79 = arith.constant 0 : index
    %get3A_80 = arith.constant 0 : index
    %get3A_81 = vector.load %arg3[%get3A_78, %get3A_79, %get3A_80] : memref<8x128x128xf32, #tpu.memory_space<vmem>>, vector<1x128x128xf32>
    %get3A_82 = vector.shape_cast %get3A_81 : vector<1x128x128xf32> to vector<128x128xf32>
    %dot_general3A_83 = arith.constant dense<0.000000e+00> : vector<1000x128xf32>
    %dot_general3A_84 = tpu.matmul %max3A_14, %get3A_82, %dot_general3A_83 {dimension_numbers = #tpu.dot_dimension_numbers<[1], [0], [0], [1], [0, 0, 1, 1], [], []>, transpose_lhs_hint = false} : vector<1000x128xf32>, vector<128x128xf32>, vector<1000x128xf32> -> vector<1000x128xf32>
    %swap3A_85 = arith.constant 4 : index
    %swap3A_86 = arith.constant 0 : index
    %swap3A_87 = arith.constant 0 : index
    %swap3A_88 = vector.load %arg7[%swap3A_85, %swap3A_86, %swap3A_87] : memref<8x1000x128xf32, #tpu.memory_space<vmem>>, vector<1x1000x128xf32>
    %swap3A_89 = vector.shape_cast %swap3A_88 : vector<1x1000x128xf32> to vector<1000x128xf32>
    %swap3A_90 = vector.shape_cast %dot_general3A_84 : vector<1000x128xf32> to vector<1x1000x128xf32>
    tpu.vector_store %arg7[%swap3A_85, %swap3A_86, %swap3A_87], %swap3A_90 {strides = array<i32>} : memref<8x1000x128xf32, #tpu.memory_space<vmem>>, vector<1x1000x128xf32>,
    %get3A_91 = arith.constant 5 : index
    %get3A_92 = arith.constant 0 : index
    %get3A_93 = arith.constant 0 : index
    %get3A_94 = vector.load %arg3[%get3A_91, %get3A_92, %get3A_93] : memref<8x128x128xf32, #tpu.memory_space<vmem>>, vector<1x128x128xf32>
    %get3A_95 = vector.shape_cast %get3A_94 : vector<1x128x128xf32> to vector<128x128xf32>
    %dot_general3A_96 = arith.constant dense<0.000000e+00> : vector<1000x128xf32>
    %dot_general3A_97 = tpu.matmul %max3A_14, %get3A_95, %dot_general3A_96 {dimension_numbers = #tpu.dot_dimension_numbers<[1], [0], [0], [1], [0, 0, 1, 1], [], []>, transpose_lhs_hint = false} : vector<1000x128xf32>, vector<128x128xf32>, vector<1000x128xf32> -> vector<1000x128xf32>
    %swap3A_98 = arith.constant 5 : index
    %swap3A_99 = arith.constant 0 : index
    %swap3A_100 = arith.constant 0 : index
    %swap3A_101 = vector.load %arg7[%swap3A_98, %swap3A_99, %swap3A_100] : memref<8x1000x128xf32, #tpu.memory_space<vmem>>, vector<1x1000x128xf32>
    %swap3A_102 = vector.shape_cast %swap3A_101 : vector<1x1000x128xf32> to vector<1000x128xf32>
    %swap3A_103 = vector.shape_cast %dot_general3A_97 : vector<1000x128xf32> to vector<1x1000x128xf32>
    tpu.vector_store %arg7[%swap3A_98, %swap3A_99, %swap3A_100], %swap3A_103 {strides = array<i32>} : memref<8x1000x128xf32, #tpu.memory_space<vmem>>, vector<1x1000x128xf32>,
    %get3A_104 = arith.constant 6 : index
    %get3A_105 = arith.constant 0 : index
    %get3A_106 = arith.constant 0 : index
    %get3A_107 = vector.load %arg3[%get3A_104, %get3A_105, %get3A_106] : memref<8x128x128xf32, #tpu.memory_space<vmem>>, vector<1x128x128xf32>
    %get3A_108 = vector.shape_cast %get3A_107 : vector<1x128x128xf32> to vector<128x128xf32>
    %dot_general3A_109 = arith.constant dense<0.000000e+00> : vector<1000x128xf32>
    %dot_general3A_110 = tpu.matmul %max3A_14, %get3A_108, %dot_general3A_109 {dimension_numbers = #tpu.dot_dimension_numbers<[1], [0], [0], [1], [0, 0, 1, 1], [], []>, transpose_lhs_hint = false} : vector<1000x128xf32>, vector<128x128xf32>, vector<1000x128xf32> -> vector<1000x128xf32>
    %swap3A_111 = arith.constant 6 : index
    %swap3A_112 = arith.constant 0 : index
    %swap3A_113 = arith.constant 0 : index
    %swap3A_114 = vector.load %arg7[%swap3A_111, %swap3A_112, %swap3A_113] : memref<8x1000x128xf32, #tpu.memory_space<vmem>>, vector<1x1000x128xf32>
    %swap3A_115 = vector.shape_cast %swap3A_114 : vector<1x1000x128xf32> to vector<1000x128xf32>
    %swap3A_116 = vector.shape_cast %dot_general3A_110 : vector<1000x128xf32> to vector<1x1000x128xf32>
    tpu.vector_store %arg7[%swap3A_111, %swap3A_112, %swap3A_113], %swap3A_116 {strides = array<i32>} : memref<8x1000x128xf32, #tpu.memory_space<vmem>>, vector<1x1000x128xf32>,
    %get3A_117 = arith.constant 7 : index
    %get3A_118 = arith.constant 0 : index
    %get3A_119 = arith.constant 0 : index
    %get3A_120 = vector.load %arg3[%get3A_117, %get3A_118, %get3A_119] : memref<8x128x128xf32, #tpu.memory_space<vmem>>, vector<1x128x128xf32>
    %get3A_121 = vector.shape_cast %get3A_120 : vector<1x128x128xf32> to vector<128x128xf32>
    %dot_general3A_122 = arith.constant dense<0.000000e+00> : vector<1000x128xf32>
    %dot_general3A_123 = tpu.matmul %max3A_14, %get3A_121, %dot_general3A_122 {dimension_numbers = #tpu.dot_dimension_numbers<[1], [0], [0], [1], [0, 0, 1, 1], [], []>, transpose_lhs_hint = false} : vector<1000x128xf32>, vector<128x128xf32>, vector<1000x128xf32> -> vector<1000x128xf32>
    %swap3A_124 = arith.constant 7 : index
    %swap3A_125 = arith.constant 0 : index
    %swap3A_126 = arith.constant 0 : index
    %swap3A_127 = vector.load %arg7[%swap3A_124, %swap3A_125, %swap3A_126] : memref<8x1000x128xf32, #tpu.memory_space<vmem>>, vector<1x1000x128xf32>
    %swap3A_128 = vector.shape_cast %swap3A_127 : vector<1x1000x128xf32> to vector<1000x128xf32>
    %swap3A_129 = vector.shape_cast %dot_general3A_123 : vector<1000x128xf32> to vector<1x1000x128xf32>
    tpu.vector_store %arg7[%swap3A_124, %swap3A_125, %swap3A_126], %swap3A_129 {strides = array<i32>} : memref<8x1000x128xf32, #tpu.memory_space<vmem>>, vector<1x1000x128xf32>,
    return
  }
  func.func @transform_0(%arg0: i32) -> (i32, i32, i32) {
    %c0_i32 = arith.constant 0 : i32
    %c0_i32_0 = arith.constant 0 : i32
    %c0_i32_1 = arith.constant 0 : i32
    return %c0_i32, %arg0, %c0_i32_0 : i32, i32, i32
  }
  func.func @transform_1(%arg0: i32) -> (i32, i32) {
    %c0_i32 = arith.constant 0 : i32
    %c0_i32_0 = arith.constant 0 : i32
    return %arg0, %c0_i32 : i32, i32
  }
  func.func @transform_2(%arg0: i32) -> (i32, i32, i32) {
    %c0_i32 = arith.constant 0 : i32
    %c0_i32_0 = arith.constant 0 : i32
    %c0_i32_1 = arith.constant 0 : i32
    %c0_i32_2 = arith.constant 0 : i32
    return %c0_i32, %c0_i32_0, %c0_i32_1 : i32, i32, i32
  }
  func.func @transform_3(%arg0: i32) -> (i32, i32) {
    %c0_i32 = arith.constant 0 : i32
    %c0_i32_0 = arith.constant 0 : i32
    %c0_i32_1 = arith.constant 0 : i32
    return %c0_i32, %c0_i32_0 : i32, i32
  }
  func.func @transform_4(%arg0: i32) -> (i32, i32) {
    %c0_i32 = arith.constant 0 : i32
    %c0_i32_0 = arith.constant 0 : i32
    %c0_i32_1 = arith.constant 0 : i32
    return %c0_i32, %c0_i32_0 : i32, i32
  }
  func.func @transform_5(%arg0: i32) -> (i32, i32) {
    %c0_i32 = arith.constant 0 : i32
    %c0_i32_0 = arith.constant 0 : i32
    return %arg0, %c0_i32 : i32, i32
  }
  func.func @transform_6(%arg0: i32) -> (i32, i32, i32) {
    %c0_i32 = arith.constant 0 : i32
    %c0_i32_0 = arith.constant 0 : i32
    %c0_i32_1 = arith.constant 0 : i32
    return %c0_i32, %arg0, %c0_i32_0 : i32, i32, i32
  }
}

module attributes {stable_mosaic.version = 14 : i64} {
  func.func @_head_body(%arg0: i32, %arg1: memref<2x1000x128xf32, #tpu.memory_space<vmem>>, %arg2: memref<1000x128xf32, #tpu.memory_space<vmem>>, %arg3: memref<128x16xf32, #tpu.memory_space<vmem>>, %arg4: memref<1x16xf32, #tpu.memory_space<vmem>>, %arg5: memref<1x16xf32, #tpu.memory_space<vmem>>, %arg6: memref<1x128xf32, #tpu.memory_space<vmem>>) attributes {dimension_semantics = [#tpu.dimension_semantics<arbitrary>], iteration_bounds = array<i64: 10>, scalar_prefetch = 0 : i64, scratch_operands = 1 : i64, tpu.core_type = #tpu.core_type<tc>, window_params = [{transform_indices = @transform_0, window_bounds = array<i64: 2, 1000, 128>}, {transform_indices = @transform_1, window_bounds = array<i64: 1000, 128>}, {pipeline_mode = #tpu.pipeline_mode<synchronous>, transform_indices = @transform_2, window_bounds = array<i64: 128, 16>}, {pipeline_mode = #tpu.pipeline_mode<synchronous>, transform_indices = @transform_3, window_bounds = array<i64: 1, 16>}, {pipeline_mode = #tpu.pipeline_mode<synchronous>, transform_indices = @transform_4, window_bounds = array<i64: 1, 16>}]} {
    %get3A = arith.constant 0 : index
    %get3A_0 = arith.constant 0 : index
    %get3A_1 = arith.constant 0 : index
    %get3A_2 = vector.load %arg1[%get3A, %get3A_0, %get3A_1] : memref<2x1000x128xf32, #tpu.memory_space<vmem>>, vector<1x1000x128xf32>
    %get3A_3 = vector.shape_cast %get3A_2 : vector<1x1000x128xf32> to vector<1000x128xf32>
    %get3A_4 = arith.constant 1 : index
    %get3A_5 = arith.constant 0 : index
    %get3A_6 = arith.constant 0 : index
    %get3A_7 = vector.load %arg1[%get3A_4, %get3A_5, %get3A_6] : memref<2x1000x128xf32, #tpu.memory_space<vmem>>, vector<1x1000x128xf32>
    %get3A_8 = vector.shape_cast %get3A_7 : vector<1x1000x128xf32> to vector<1000x128xf32>
    %add3A = arith.addf %get3A_3, %get3A_8 : vector<1000x128xf32>
    %get3A_9 = arith.constant 0 : index
    %get3A_10 = arith.constant 0 : index
    %get3A_11 = vector.load %arg2[%get3A_9, %get3A_10] : memref<1000x128xf32, #tpu.memory_space<vmem>>, vector<1000x128xf32>
    %add3A_12 = arith.addf %add3A, %get3A_11 : vector<1000x128xf32>
    %max3A = arith.constant 0.000000e+00 : f32
    %max3A_13 = vector.broadcast %max3A : f32 to vector<1000x128xf32>
    %max3A_14 = arith.maximumf %add3A_12, %max3A_13 : vector<1000x128xf32>
    %reduce_sum3A = arith.constant dense<0.000000e+00> : vector<128xf32>
    %reduce_sum3A_15 = vector.multi_reduction <add>, %max3A_14, %reduce_sum3A [0] : vector<1000x128xf32> to vector<128xf32>
    %broadcast_in_dim3A = vector.shape_cast %reduce_sum3A_15 : vector<128xf32> to vector<1x128xf32>
    %eq3A = arith.constant 0 : i32
    %eq3A_16 = arith.cmpi eq, %arg0, %eq3A : i32
    %convert_element_type3A = arith.extui %eq3A_16 : i1 to i32
    %cond3A = arith.constant 0 : i32
    %cond3A_17 = arith.cmpi ne, %convert_element_type3A, %cond3A : i32
    scf.if %cond3A_17 {
      %swap3A = arith.constant 0 : index
      %swap3A_27 = arith.constant 0 : index
      %swap3A_28 = vector.load %arg6[%swap3A, %swap3A_27] : memref<1x128xf32, #tpu.memory_space<vmem>>, vector<1x128xf32>
      tpu.vector_store %arg6[%swap3A, %swap3A_27], %broadcast_in_dim3A {strides = array<i32>} : memref<1x128xf32, #tpu.memory_space<vmem>>, vector<1x128xf32>,
    } else {
    }
    %gt3A = arith.constant 0 : i32
    %gt3A_18 = arith.cmpi sgt, %arg0, %gt3A : i32
    %convert_element_type3A_19 = arith.extui %gt3A_18 : i1 to i32
    %cond3A_20 = arith.constant 0 : i32
    %cond3A_21 = arith.cmpi ne, %convert_element_type3A_19, %cond3A_20 : i32
    scf.if %cond3A_21 {
      %get3A_27 = arith.constant 0 : index
      %get3A_28 = arith.constant 0 : index
      %get3A_29 = vector.load %arg6[%get3A_27, %get3A_28] : memref<1x128xf32, #tpu.memory_space<vmem>>, vector<1x128xf32>
      %add3A_30 = arith.addf %get3A_29, %broadcast_in_dim3A : vector<1x128xf32>
      %swap3A = arith.constant 0 : index
      %swap3A_31 = arith.constant 0 : index
      %swap3A_32 = vector.load %arg6[%swap3A, %swap3A_31] : memref<1x128xf32, #tpu.memory_space<vmem>>, vector<1x128xf32>
      tpu.vector_store %arg6[%swap3A, %swap3A_31], %add3A_30 {strides = array<i32>} : memref<1x128xf32, #tpu.memory_space<vmem>>, vector<1x128xf32>,
    } else {
    }
    %eq3A_22 = arith.constant 9 : i32
    %eq3A_23 = arith.cmpi eq, %arg0, %eq3A_22 : i32
    %convert_element_type3A_24 = arith.extui %eq3A_23 : i1 to i32
    %cond3A_25 = arith.constant 0 : i32
    %cond3A_26 = arith.cmpi ne, %convert_element_type3A_24, %cond3A_25 : i32
    scf.if %cond3A_26 {
      %get3A_27 = arith.constant 0 : index
      %get3A_28 = arith.constant 0 : index
      %get3A_29 = vector.load %arg6[%get3A_27, %get3A_28] : memref<1x128xf32, #tpu.memory_space<vmem>>, vector<1x128xf32>
      %mul3A = arith.constant 9.99999974E-5 : f32
      %mul3A_30 = vector.broadcast %mul3A : f32 to vector<1x128xf32>
      %mul3A_31 = arith.mulf %get3A_29, %mul3A_30 : vector<1x128xf32>
      %get3A_32 = arith.constant 0 : index
      %get3A_33 = arith.constant 0 : index
      %get3A_34 = vector.load %arg3[%get3A_32, %get3A_33] : memref<128x16xf32, #tpu.memory_space<vmem>>, vector<128x16xf32>
      %dot_general3A = arith.constant dense<0.000000e+00> : vector<1x16xf32>
      %dot_general3A_35 = tpu.matmul %mul3A_31, %get3A_34, %dot_general3A {dimension_numbers = #tpu.dot_dimension_numbers<[1], [0], [0], [1], [0, 0, 1, 1], [], []>, transpose_lhs_hint = false} : vector<1x128xf32>, vector<128x16xf32>, vector<1x16xf32> -> vector<1x16xf32>
      %get3A_36 = arith.constant 0 : index
      %get3A_37 = arith.constant 0 : index
      %get3A_38 = vector.load %arg4[%get3A_36, %get3A_37] : memref<1x16xf32, #tpu.memory_space<vmem>>, vector<1x16xf32>
      %add3A_39 = arith.addf %dot_general3A_35, %get3A_38 : vector<1x16xf32>
      %reduce_max3A = arith.constant dense<0xFF800000> : vector<1xf32>
      %reduce_max3A_40 = vector.multi_reduction <maximumf>, %add3A_39, %reduce_max3A [1] : vector<1x16xf32> to vector<1xf32>
      %broadcast_in_dim3A_41 = vector.shape_cast %reduce_max3A_40 : vector<1xf32> to vector<1x1xf32>
      %sub3A = vector.broadcast %broadcast_in_dim3A_41 : vector<1x1xf32> to vector<1x16xf32>
      %sub3A_42 = arith.subf %add3A_39, %sub3A : vector<1x16xf32>
      %exp3A = math.exp %sub3A_42 : vector<1x16xf32>
      %reduce_sum3A_43 = arith.constant dense<0.000000e+00> : vector<1xf32>
      %reduce_sum3A_44 = vector.multi_reduction <add>, %exp3A, %reduce_sum3A_43 [1] : vector<1x16xf32> to vector<1xf32>
      %broadcast_in_dim3A_45 = vector.shape_cast %reduce_sum3A_44 : vector<1xf32> to vector<1x1xf32>
      %div3A = vector.broadcast %broadcast_in_dim3A_45 : vector<1x1xf32> to vector<1x16xf32>
      %div3A_46 = arith.divf %exp3A, %div3A : vector<1x16xf32>
      %swap3A = arith.constant 0 : index
      %swap3A_47 = arith.constant 0 : index
      %swap3A_48 = vector.load %arg5[%swap3A, %swap3A_47] : memref<1x16xf32, #tpu.memory_space<vmem>>, vector<1x16xf32>
      tpu.vector_store %arg5[%swap3A, %swap3A_47], %div3A_46 {strides = array<i32>} : memref<1x16xf32, #tpu.memory_space<vmem>>, vector<1x16xf32>,
    } else {
    }
    return
  }
  func.func @transform_0(%arg0: i32) -> (i32, i32, i32) {
    %c0_i32 = arith.constant 0 : i32
    %c0_i32_0 = arith.constant 0 : i32
    %c0_i32_1 = arith.constant 0 : i32
    return %c0_i32, %arg0, %c0_i32_0 : i32, i32, i32
  }
  func.func @transform_1(%arg0: i32) -> (i32, i32) {
    %c0_i32 = arith.constant 0 : i32
    %c0_i32_0 = arith.constant 0 : i32
    return %arg0, %c0_i32 : i32, i32
  }
  func.func @transform_2(%arg0: i32) -> (i32, i32) {
    %c0_i32 = arith.constant 0 : i32
    %c0_i32_0 = arith.constant 0 : i32
    %c0_i32_1 = arith.constant 0 : i32
    return %c0_i32, %c0_i32_0 : i32, i32
  }
  func.func @transform_3(%arg0: i32) -> (i32, i32) {
    %c0_i32 = arith.constant 0 : i32
    %c0_i32_0 = arith.constant 0 : i32
    %c0_i32_1 = arith.constant 0 : i32
    return %c0_i32, %c0_i32_0 : i32, i32
  }
  func.func @transform_4(%arg0: i32) -> (i32, i32) {
    %c0_i32 = arith.constant 0 : i32
    %c0_i32_0 = arith.constant 0 : i32
    %c0_i32_1 = arith.constant 0 : i32
    return %c0_i32, %c0_i32_0 : i32, i32
  }
}

</mosaic_0001>

<sc_bundles>
// kernel: kernel.10.cloned.1.call-start
scs
__scs_entry_jumppad:
0x0: {  	(pc) =	sbr.rel $0x88, $3  }
0x1: {  	(tag) =	ssettag $0x0;
	lr =	simm.s32 $0x1  }
0x2: {  	[smem:$0x3F92] =	sst lr;
	_ =	strace $0xD0000000  }
0x3: {  	_ = 	snop  }
0x4: {  	_ = 	snop  }
0x5: {  	_ = 	snop  }
0x6: {  	_ = 	snop  }
0x7: {  	_ = 	snop  }
__scs_overlays_trampoline_lowered:
0x8: {  	[smem:$0x3FA1] =	sst s0  }
0x9: {  	[smem:$0x3FA2] =	sst s1  }
0xa: {  	[smem:$0x3FA3] =	sst s2  }
0xb: {  	[smem:$0x3FA4] =	sst s3  }
0xc: {  	[smem:$0x3FA5] =	sst s4  }
0xd: {  	[smem:$0x3FA6] =	sst s5  }
0xe: {  	[smem:$0x3FA7] =	sst s6  }
0xf: {  	[smem:$0x3FA8] =	sst s7  }
0x10: {  	[smem:$0x3FA9] =	sst s8  }
0x11: {  	[smem:$0x3FAA] =	sst s9;
	s0 =	simm.s32 @!p0 $0x0  }
0x12: {  	s1 =	sld [smem:$0x3F90];
	s0 =	simm.s32 @p0 $0x1  }
0x13: {  	[smem:$0x3FAB] =	sst s0;
	s0 =	simm.s32 @!p1 $0x0  }
0x14: {  	s2 =	sld [smem:$0x3F8F];
	s0 =	simm.s32 @p1 $0x1  }
0x15: {  	[smem:$0x3FAC] =	sst s0;
	s0 =	simm.s32 @!p2 $0x0  }
0x16: {  	s3 =	sld [smem:$0x3FDB];
	s0 =	simm.s32 @p2 $0x1  }
0x17: {  	s4 =	simm.s32 $0x1BF5;
	[smem:$0x3FAE] =	sst s0  }
0x18: {  	s0 =	sld [smem:$0x3F91];
	_ =	swait.ge [sflag:s4], $0x0  }
0x19: {  	s7 =	sld [smem:$0x3F92]  }
0x1a: {  	s8 =	sadd.s32 $0xFFFFE003, lr  }
0x1b: {  	s9 =	sadd.s32 $0xFFFFFEF7, lr;
	s5 =	simm.s32 $0xFFFFFFFF;
	p2 =	slt.u32 s8, $0xFFFFF086  }
0x1c: {  	p1 =	slt.u32 s9, $0xF7A;
	s5 =	simm.s32 @!p2 $0x0  }
0x1d: {  	s5 =	simm.s32 @p1 $0x1;
	p0 =	seq.s32 s7, s2  }
0x1e: {  	s7 =	smul.u32 @!p0 $0xF7A, s2;
	p2 =	seq.s32 @!p0 s5, $0x0  }
0x1f: {  	s9 =	smul.u32 $0xF7A, s1;
	s8 =	simm.s32 @!p0 $0x1BF5;
	p2 =	por !p2, p0  }
0x20: {  	[sflag:s8] =	ssyncset.s32 @!p0 $0xFFFFF086;
	s6 =	sadd.s32 @!p0 s3, s7;
	s7 =	simm.s32 @!p0 $0x108  }
0x21: {  	s3 =	sadd.s32 s3, s9;
	s6 =	sadd.s32 @!p0 $0x88, s6;
	s7 =	simm.s32 @p2 $0x1082  }
0x22: {  	[simem:s7], [sflag:s8] =	dma.local @!p0 [hbm:s6], $0xF7A  }
0x23: {  	s9 =	sor.u32 $0xD0000000, s2;
	s6 =	simm.s32 $0x108;
	_ =	swait.ge @!p0 [sflag:s8], $0x0  }
0x24: {  	s3 =	sadd.s32 $0x88, s3;
	s6 =	simm.s32 @!p1 $0x1082;
	[sflag:s4] =	ssyncset.s32 $0xFFFFF086  }
0x25: {  	[simem:s6], [sflag:s4] =	dma.local [hbm:s3], $0xF7A  }
0x26: {  	[smem:$0x3F92] =	sst s1;
	(tag) =	ssettag s2;
	_ =	strace s9  }
0x27: {  	s1 =	sld [smem:$0x3FA2]  }
0x28: {  	s2 =	sld [smem:$0x3FA3]  }
0x29: {  	s4 =	sld [smem:$0x3FA5]  }
0x2a: {  	p0 =	seq.s32 s5, $0x0;
	s5 =	sld [smem:$0x3FA6]  }
0x2b: {  	s6 =	sld [smem:$0x3FA7]  }
0x2c: {  	s7 =	sld [smem:$0x3FA8]  }
0x2d: {  	s3 =	simm.s32 $0x108;
	s8 =	sld [smem:$0x3FA9]  }
0x2e: {  	s3 =	simm.s32 @!p0 $0x1082;
	s9 =	sld [smem:$0x3FAA]  }
0x2f: {  	lr =	sadd.s32 s0, s3;
	s0 =	sld [smem:$0x3FA1]  }
0x30: {  	s3 =	sld [smem:$0x3FA4]  }
0x31: {  	[smem:$0x3FAD] =	sst s10  }
0x32: {  	s10 =	sld [smem:$0x3FAB];
	_ =	sdelay $0x3  }
0x33: {  	p0 =	seq.s32 s10, $0x1;
	s10 =	sld [smem:$0x3FAD];
	_ =	sdelay $0x3  }
0x34: {  	[smem:$0x3FAD] =	sst s10  }
0x35: {  	s10 =	sld [smem:$0x3FAC];
	_ =	sdelay $0x3  }
0x36: {  	p1 =	seq.s32 s10, $0x1;
	s10 =	sld [smem:$0x3FAD];
	_ =	sdelay $0x3  }
0x37: {  	[smem:$0x3FAD] =	sst s10  }
0x38: {  	s10 =	sld [smem:$0x3FAE]  }
0x39: {  	_ = 	snop;
	(pc) =	sbr.ind lr, $3  }
0x3a: {  	_ = 	snop  }
0x3b: {  	_ = 	snop  }
0x3c: {  	p2 =	seq.s32 s10, $0x1;
	s10 =	sld [smem:$0x3FAD]  }
0x3d: {  	_ =	shalt  }
0x3e: {  	_ =	shalt  }
0x3f: {  	_ =	shalt  }
0x40: {  	_ =	shalt  }
0x41: {  	_ =	shalt  }
0x42: {  	_ =	shalt  }
0x43: {  	_ =	shalt  }
0x44: {  	_ =	shalt  }
0x45: {  	_ =	shalt  }
0x46: {  	_ =	shalt  }
0x47: {  	_ =	shalt  }
0x48: {  	_ =	shalt  }
0x49: {  	_ =	shalt  }
0x4a: {  	_ =	shalt  }
0x4b: {  	_ =	shalt  }
0x4c: {  	_ =	shalt  }
0x4d: {  	_ =	shalt  }
0x4e: {  	_ =	shalt  }
0x4f: {  	_ =	shalt  }
0x50: {  	_ =	shalt  }
0x51: {  	_ =	shalt  }
0x52: {  	_ =	shalt  }
0x53: {  	_ =	shalt  }
0x54: {  	_ =	shalt  }
0x55: {  	_ =	shalt  }
0x56: {  	_ =	shalt  }
0x57: {  	_ =	shalt  }
0x58: {  	_ =	shalt  }
0x59: {  	_ =	shalt  }
0x5a: {  	_ =	shalt  }
0x5b: {  	_ =	shalt  }
0x5c: {  	_ =	shalt  }
0x5d: {  	_ =	shalt  }
0x5e: {  	_ =	shalt  }
0x5f: {  	_ =	shalt  }
0x60: {  	_ =	shalt  }
0x61: {  	_ =	shalt  }
0x62: {  	_ =	shalt  }
0x63: {  	_ =	shalt  }
0x64: {  	_ =	shalt  }
0x65: {  	_ =	shalt  }
0x66: {  	_ =	shalt  }
0x67: {  	_ =	shalt  }
0x68: {  	_ =	shalt  }
0x69: {  	_ =	shalt  }
0x6a: {  	_ =	shalt  }
0x6b: {  	_ =	shalt  }
0x6c: {  	_ =	shalt  }
0x6d: {  	_ =	shalt  }
0x6e: {  	_ =	shalt  }
0x6f: {  	_ =	shalt  }
0x70: {  	_ =	shalt  }
0x71: {  	_ =	shalt  }
0x72: {  	_ =	shalt  }
0x73: {  	_ =	shalt  }
0x74: {  	_ =	shalt  }
0x75: {  	_ =	shalt  }
0x76: {  	_ =	shalt  }
0x77: {  	_ =	shalt  }
0x78: {  	_ =	shalt  }
0x79: {  	_ =	shalt  }
0x7a: {  	_ =	shalt  }
0x7b: {  	_ =	shalt  }
0x7c: {  	_ =	shalt  }
0x7d: {  	_ =	shalt  }
0x7e: {  	_ =	shalt  }
0x7f: {  	_ =	shalt  }
0x80: {  	_ =	shalt  }
0x81: {  	_ =	shalt  }
0x82: {  	_ =	shalt  }
0x83: {  	_ =	shalt  }
0x84: {  	_ =	shalt  }
0x85: {  	_ =	shalt  }
0x86: {  	_ =	shalt  }
0x87: {  	_ =	shalt  }
.Lfunc_end0:
.L_simem_size_0:
called_computation.1_lowered:
.L_overlay_start_0:
0x88: {  	s2 =	sld [smem:$0x3FD9]  }
0x89: {  	s3 =	sld [smem:$0x3FFE];
	_ =	sdelay $0x1  }
0x8a: {  	s1 =	srdreg.scid  }
0x8b: {  	s0 =	sand.u32 $0x1, s1  }
0x8c: {  	s16 =	sshll.u32 s0, $0xA;
	s2 =	sadd.s32 s3, s2  }
0x8d: {  	s2 =	sadd.s32 s2, s16  }
0x8e: {  	[smem:$0x3FB9] =	sst s2  }
0x8f: {  	_ = 	snop  }
0x90: {  	(tm) =	ssettm $0x1  }
0x91: {  	s17 =	sld [smem:$0x3FFB];
	_ =	sdelay $0x3  }
0x92: {  	_ =	strace s17  }
0x93: {  	s2 =	sld [smem:$0x3FFC];
	_ =	sdelay $0x3  }
0x94: {  	_ =	strace s2  }
0x95: {  	s2 =	sld [smem:$0x3FFD];
	_ =	sdelay $0x3  }
0x96: {  	_ =	strace s2  }
0x97: {  	_ =	strace $0x8FFFFFFF  }
0x98: {  	s18 =	sld [smem:$0x3FDB];
	_ =	sdelay $0x1  }
0x99: {  	s19 =	simm.s32 $_scs_section_size  }
0x9a: {  	s4 =	simm.s32 $_size__tile_overlayer_lowered;
	s5 =	simm.s32 $_tile_overlayer_lowered  }
0x9b: {  	s22 =	simm.s32 $0x1BFF;
	s21 =	sshll.u32 s5, $0x1;
	s2 =	sadd.s32 s19, s18  }
0x9c: {  	s6 =	simm.s32 $0x0;
	s20 =	sshll.u32 s4, $0x1;
	s4 =	sadd.s32 s21, s2  }
0x9d: {  	[timem:s6], [sflag:s22] =	dma.local [hbm:s4], s20  }
0x9e: {  	_ =	swait.ge [sflag:s22], s20  }
0x9f: {  	s3 =	ssub.s32 $0x0, s20;
	[sflag:s22] =	ssyncset.done $0x0  }
0xa0: {  	[sflag:s22] =	ssyncadd.s32 s3;
	_ =	sdelay $0x1  }
0xa1: {  	s23 =	simm.s32 $0x1B8B  }
0xa2: {  	_ =	swait.ge [sflag:s23], $0x1  }
0xa3: {  	[sflag:s23] =	ssyncset.done $0x0  }
0xa4: {  	s25 =	simm.s32 $0x1B8E;
	s24 =	sld [smem:$0x3FFE];
	[sflag:s23] =	ssyncadd.s32 $0xFFFFFFFF  }
0xa5: {  	s26 =	simm.s32 $execute0_lowered;
	[smem:$0x3FD2] =	sst s25  }
0xa6: {  	s4 =	sshll.u32 s26, $0x1;
	_ =	strace $0x80000049;
	[dreg:$0x1] =	wrdreg $0xFFFFFFFF  }
0xa7: {  	s28 =	simm.s32 $_size_execute0_lowered;
	s2 =	sadd.s32 s2, s4;
	[dreg:$0x0] =	wrdreg $0x0  }
0xa8: {  	s4 =	sshll.u32 s28, $0x1;
	[dreg:$0x2] =	wrdreg s2  }
0xa9: {  	[dreg:$0x3] =	wrdreg s4  }
0xaa: {  	[dreg:$0x4] =	wrdreg $0xC0  }
0xab: {  	_ =	task [dreg:s6], $0x5FFFF  }
0xac: {  	[dreg:$0x1] =	wrdreg $0xFFFFFFFF  }
0xad: {  	[dreg:$0x0] =	wrdreg $0x60  }
0xae: {  	[dreg:$0x2] =	wrdreg s24  }
0xaf: {  	[dreg:$0x3] =	wrdreg $0x90000  }
0xb0: {  	[dreg:$0x4] =	wrdreg $0x9  }
0xb1: {  	_ =	task.clear_ibuf [dreg:s6], $0x5FFFF;
	_ =	strace $0x90000049  }
0xb2: {  	s29 =	simm.s32 $0x9;
	_ =	strace $0x8000004B  }
0xb3: {  	_ =	swait.ge [sflag:s29], $0x1  }
0xb4: {  	[sflag:s29] =	ssyncadd.s32 $0xFFFFFFFF  }
0xb5: {  	_ =	strace $0x9000004B  }
0xb6: {  	_ =	sfence  }
0xb7: {  	s30 =	sld [smem:$0x0];
	_ =	sdelay $0x2  }
0xb8: {  	s31 =	sshll.u32 s1, $0xD;
	s1 =	sshrl.u32 s1, $0x2  }
0xb9: {  	s3 =	sand.u32 $0x4000, s31;
	s1 =	sadd.s32 s1, s30  }
0xba: {  	s0 =	sor.u32 s3, s0;
	s1 =	sshll.u32 s1, $0x11  }
0xbb: {  	s0 =	sor.u32 s1, s0  }
0xbc: {  	s0 =	sadd.s32 $0x8F2B, s0  }
0xbd: {  	[sflag:s0] =	ssyncadd.remote.s32 $0x1  }
0xbe: {  	_ =	sfence.sel $0xFFFF  }
0xbf: {  	[dreg:$0x0] =	wrdreg $0xFFFFFFFF;
	(pc) =	sbr.abs _section_cstart, $3  }
0xc0: {  	[dreg:$0x1] =	wrdreg $0xFFFFFFFF  }
0xc1: {  	_ =	task.clear_ibuf [dreg:s6], $0x2FFFF;
	_ =	strace $0x9FFFFFFF  }
0xc2: {  	(tm) =	ssettm $0x7FFFFFFF  }
0xc3: {  	_ =	shalt  }
tec
execute0_lowered:
.L_overlay_start_1:
0x0: {  	(tag) =	ssettag $0x1  }
0x1: {  	s0 =	srdreg.scid;
	s6 =	rddreg [dreg:$0x0]  }
0x2: {  	s2 =	rddreg [dreg:$0x1];
	s3 =	simm.s32 $0x0;
	s14 =	simm.s32 $0x5000  }
0x3: {  	s15 =	simm.s32 $0x2;
	s16 =	simm.s32 $0x2800;
	s5 =	sand.u32 $0x1, s0  }
0x4: {  	s17 =	simm.s32 $0x80;
	s0 =	stileid.u32;
	s8 =	smul.u32 $0x140000, s5  }
0x5: {  	s18 =	simm.s32 $0x1;
	[smem:$0x7FF] =	sst s3;
	s9 =	smul.u32 $0x14000, s0  }
0x6: {  	s4 =	sadd.s32 $0x16A00, s6;
	s1 =	sshll.u32 s5, $0x4;
	s10 =	smul.u32 $0x50000, s0  }
0x7: {  	s29 =	ssub.s32 $0x2, s5;
	s19 =	sshll.u32 s0, $0x6;
	s1 =	sor.u32 s0, s1  }
0x8: {  	s31 =	sshrl.u32 s29, $0x1;
	s19 =	sor.u32 $0x1C02, s19;
	s7 =	smul.u32 $0x500, s1  }
0x9: {  	s1 =	rddreg [dreg:$0x2];
	_ =	strace $0x8000004A;
	s30 =	sshrl.u32 s10, $0x2  }
0xa: {  	s28 =	sadd.s32 s9, s8;
	s13 =	ssub.s32 s29, s31;
	s5 =	sadd.s32 s30, s2  }
0xb: {  	s13 =	smax.u32 s13, $0x1;
	s11 =	sadd.s32 s7, s6;
	s7 =	sshrl.u32 s28, $0x3  }
0xc: {  	s8 =	sadd.s32 $0xC000, s5;
	s9 =	sadd.s32 $0x10000, s5;
	s20 =	sshrl.u32 s5, $0x3  }
0xd: {  	s12 =	sadd.s32 s7, s6;
	s6 =	sadd.s32 $0x4000, s5;
	s7 =	sadd.s32 $0x8000, s5  }
0xe: {  	v0 =	vimm.f32 $0.0e+00;
	s10 =	sadd.s32 $0x2A00, s11;
	s11 =	sadd.s32 $0xCA00, s11;
	s12 =	sadd.s32 $0x14F200, s12  }
.LBB2_1:
0xf: {  	s21 =	simm.s32 $0x0;
	s22 =	simm.s32 $0x200  }
.LBB2_2:
0x10: {  	p0 =	sne.s32 s22, $0xFE00;
	[tilespmem:s21+$0x5070] =	vst v0  }
0x11: {  	[tilespmem:s21+$0x5000] =	vst v0  }
0x12: {  	[tilespmem:s21+$0x5010] =	vst v0  }
.Ltmp0:
0x13: {  	[tilespmem:s21+$0x5020] =	vst v0;
	(pc) =	sbr.rel @p0 .LBB2_2-.Ltmp0, $4  }
0x14: {  	[tilespmem:s21+$0x5030] =	vst v0  }
0x15: {  	[tilespmem:s21+$0x5040] =	vst v0  }
0x16: {  	[tilespmem:s21+$0x5050] =	vst v0  }
0x17: {  	[tilespmem:s21+$0x5060] =	vst v0;
	s21 =	sshra.s32 s22, $0x2;
	s22 =	sadd.s32 $0x200, s22  }
0x18: {  	[tilespmem:s21+$0x5070] =	vst v0  }
0x19: {  	[tilespmem:s21+$0x5000] =	vst v0  }
0x1a: {  	[tilespmem:s21+$0x5010] =	vst v0  }
0x1b: {  	[tilespmem:s21+$0x5020] =	vst v0  }
0x1c: {  	[tilespmem:s21+$0x5030] =	vst v0  }
0x1d: {  	[tilespmem:s21+$0x5040] =	vst v0  }
0x1e: {  	[tilespmem:s21+$0x5050] =	vst v0  }
0x1f: {  	[tilespmem:s21+$0x5060] =	vst v0  }
0x20: {  	[spmem:s5] =	stream.linear.scatter [tilespmem:s14], [sflag:$0x2], $0x4000, $0x38;
	[tilespmem:$0x1D000] =	vst v63  }
0x21: {  	_ =	swait.ge [sflag:s15], $0x4000  }
0x22: {  	[sflag:s15] =	ssyncset.done $0x0  }
0x23: {  	[sflag:s15] =	ssyncadd.s32 $0xFFFFC000  }
0x24: {  	[spmem:s6] =	stream.linear.scatter [tilespmem:s14], [sflag:$0x2], $0x4000, $0x38;
	[tilespmem:$0x1D000] =	vst v63  }
0x25: {  	_ =	swait.ge [sflag:s15], $0x4000  }
0x26: {  	[sflag:s15] =	ssyncset.done $0x0  }
0x27: {  	[sflag:s15] =	ssyncadd.s32 $0xFFFFC000  }
0x28: {  	[spmem:s7] =	stream.linear.scatter [tilespmem:s14], [sflag:$0x2], $0x4000, $0x38;
	[tilespmem:$0x1D000] =	vst v63  }
0x29: {  	_ =	swait.ge [sflag:s15], $0x4000  }
0x2a: {  	[sflag:s15] =	ssyncset.done $0x0  }
0x2b: {  	[sflag:s15] =	ssyncadd.s32 $0xFFFFC000  }
0x2c: {  	[spmem:s8] =	stream.linear.scatter [tilespmem:s14], [sflag:$0x2], $0x4000, $0x38;
	[tilespmem:$0x1D000] =	vst v63  }
0x2d: {  	_ =	swait.ge [sflag:s15], $0x4000  }
0x2e: {  	[sflag:s15] =	ssyncset.done $0x0  }
0x2f: {  	[sflag:s15] =	ssyncadd.s32 $0xFFFFC000  }
0x30: {  	[spmem:s9] =	stream.linear.scatter [tilespmem:s14], [sflag:$0x2], $0x4000, $0x38;
	[tilespmem:$0x1D000] =	vst v63  }
0x31: {  	_ =	swait.ge [sflag:s15], $0x4000  }
0x32: {  	[sflag:s15] =	ssyncset.done $0x0  }
0x33: {  	[sflag:s15] =	ssyncadd.s32 $0xFFFFC000  }
0x34: {  	s29 =	simm.s32 $0x0;
	[bflag:$0x0] =	sbarrier.arrive $0xFFFF  }
0x35: {  	[tilespmem:s29], [sflag:$0x2] =	stream.linear.gather [hbm4b:s10+s29], $0x2780, $0x38;
	[tilespmem:$0x1D000] =	vst v63  }
0x36: {  	_ =	swait.ge [sflag:s15], $0x2780  }
0x37: {  	[sflag:s15] =	ssyncset.done $0x0  }
0x38: {  	[sflag:s15] =	ssyncadd.s32 $0xFFFFD880  }
0x39: {  	[tilespmem:s16], [sflag:$0x2] =	stream.linear.gather [hbm4b:s11+s29], $0x2780, $0x38;
	[tilespmem:$0x1D000] =	vst v63  }
0x3a: {  	_ =	swait.ge [sflag:s15], $0x2780  }
0x3b: {  	[sflag:s15] =	ssyncset.done $0x0  }
0x3c: {  	s30 =	simm.s32 $0x0;
	[sflag:s15] =	ssyncadd.s32 $0xFFFFD880  }
0x3d: {  	[tilespmem:s14], [sflag:$0x1] =	stream.indirect.gather [hbm4b:s4+s17], $0x80, s30, s17, $0xb8;
	[tilespmem:$0x1D000] =	vst v63  }
0x3e: {  	_ =	swait.ge [sflag:s18], $0x4000  }
0x3f: {  	[sflag:s18] =	ssyncset.done $0x0  }
0x40: {  	s31 =	simm.s32 $0x2800;
	[sflag:s18] =	ssyncadd.s32 $0xFFFFC000  }
0x41: {  	[spmem:s2] =	stream.indirect.scatter.add.f32 [tilespmem:s14], [sflag:$0x2], $0x80, s31, s17, $0xb8;
	[tilespmem:$0x1D000] =	vst v63  }
0x42: {  	_ =	swait.ge [sflag:s15], $0x4000  }
0x43: {  	s21 =	simm.s32 $0x200;
	s22 =	simm.s32 $0x400;
	[sflag:s15] =	ssyncset.done $0x0  }
.LBB2_4:
0x44: {  	s23 =	sshra.s32 s21, $0x2  }
0x45: {  	[sflag:s15] =	ssyncadd.s32 $0xFFFFC000;
	s21 =	smov.u32 s22;
	s24 =	sadd.s32 $0x200, s22  }
0x46: {  	[tilespmem:s14], [sflag:$0x1] =	stream.indirect.gather [hbm4b:s4+s17], $0x80, s23, s17, $0xb8;
	[tilespmem:$0x1D000] =	vst v63  }
0x47: {  	p0 =	sne.s32 s22, $0x9C00;
	_ =	swait.ge [sflag:s18], $0x4000  }
.Ltmp1:
0x48: {  	[sflag:s18] =	ssyncset.done $0x0;
	(pc) =	sbr.rel @p0 .LBB2_4-.Ltmp1, $4  }
0x49: {  	s22 =	sadd.s32 $0x2800, s23;
	[sflag:s18] =	ssyncadd.s32 $0xFFFFC000  }
0x4a: {  	[spmem:s2] =	stream.indirect.scatter.add.f32 [tilespmem:s14], [sflag:$0x2], $0x80, s22, s17, $0xb8;
	[tilespmem:$0x1D000] =	vst v63  }
0x4b: {  	_ =	swait.ge [sflag:s15], $0x4000  }
0x4c: {  	s22 =	smov.u32 s24;
	[sflag:s15] =	ssyncset.done $0x0  }
0x4d: {  	s21 =	sshra.s32 s21, $0x2;
	[sflag:s15] =	ssyncadd.s32 $0xFFFFC000  }
0x4e: {  	[tilespmem:s14], [sflag:$0x1] =	stream.indirect.gather [hbm4b:s4+s17], $0x80, s21, s17, $0xb8;
	[tilespmem:$0x1D000] =	vst v63  }
0x4f: {  	_ =	swait.ge [sflag:s18], $0x4000  }
0x50: {  	[sflag:s18] =	ssyncset.done $0x0  }
0x51: {  	s21 =	sadd.s32 $0x2800, s21;
	[sflag:s18] =	ssyncadd.s32 $0xFFFFC000  }
0x52: {  	[spmem:s2] =	stream.indirect.scatter.add.f32 [tilespmem:s14], [sflag:$0x2], $0x80, s21, s17, $0xb8;
	[tilespmem:$0x1D000] =	vst v63  }
0x53: {  	_ =	swait.ge [sflag:s15], $0x4000  }
0x54: {  	s3 =	sadd.s32 $0x1, s3;
	[sflag:s15] =	ssyncset.done $0x0  }
0x55: {  	p0 =	sne.s32 s3, s13;
	[sflag:s15] =	ssyncadd.s32 $0xFFFFC000  }
.Ltmp2:
0x56: {  	[bflag:$0x0] =	sbarrier.arrive $0xFFFF;
	(pc) =	sbr.rel @p0 .LBB2_1-.Ltmp2, $4  }
0x57: {  	[hbm:s12], [sflag:s19] =	dma.local [spmem:s20], $0x2800  }
0x58: {  	_ =	swait.ge [sflag:s15], $0x2800  }
0x59: {  	[sflag:s15] =	ssyncset.done $0x0  }
0x5a: {  	[sflag:s15] =	ssyncadd.s32 $0xFFFFD800  }
0x5b: {  	_ =	sfence.sel $0x180000  }
0x5c: {  	[bflag:$0x0] =	sbarrier.arrive $0xFFFF  }
0x5d: {  	p0 =	sne.s32 s0, $0x0;
	_ =	strace $0x9000004A  }
0x5e: {  	s0 =	sadd.s32 @!p0 $0x100000, s1;
	[bflag:$0x2] =	sbarrier.arrive $0xFFFF  }
0x5f: {  	[sflag:s0] =	ssyncadd.tile.s32 @!p0 $0x1;
	_ =	shalt  }
.Lfunc_end2:
_tile_overlayer_lowered:
.L_overlay_start_2:
0x60: {  	(tag) =	ssettag $0x2  }
0x61: {  	s0 =	rddreg [dreg:$0x0];
	s2 =	stileid.u32  }
0x62: {  	s1 =	rddreg [dreg:$0x1];
	p0 =	sne.s32 s2, $0x0  }
0x63: {  	s3 =	rddreg [dreg:$0x2];
	[bflag:$0x3] =	sbarrier.arrive $0xFFFF;
	s2 =	simm.s32 @!p0 $0x1C02  }
0x64: {  	[timem:s3], [sflag:s2] =	dma.local @!p0 [hbm:s0], s1  }
0x65: {  	s0 =	simm.s32 @!p0 $0x2  }
0x66: {  	_ =	swait.ge @!p0 [sflag:s0], s1  }
0x67: {  	s1 =	ssub.s32 @!p0 $0x0, s1;
	[sflag:s0] =	ssyncset.done @!p0 $0x0  }
0x68: {  	[sflag:s0] =	ssyncadd.s32 @!p0 s1  }
0x69: {  	[bflag:$0x3] =	sbarrier.arrive $0xFFFF  }
0x6a: {  	_ =	shalt  }

// kernel: kernel.7.cloned.1.call-start
scs
__scs_entry_jumppad:
0x0: {  	(pc) =	sbr.rel $0x88, $3  }
0x1: {  	(tag) =	ssettag $0x0;
	lr =	simm.s32 $0x1  }
0x2: {  	[smem:$0x3F92] =	sst lr;
	_ =	strace $0xD0000000  }
0x3: {  	_ = 	snop  }
0x4: {  	_ = 	snop  }
0x5: {  	_ = 	snop  }
0x6: {  	_ = 	snop  }
0x7: {  	_ = 	snop  }
__scs_overlays_trampoline_lowered:
0x8: {  	[smem:$0x3FA1] =	sst s0  }
0x9: {  	[smem:$0x3FA2] =	sst s1  }
0xa: {  	[smem:$0x3FA3] =	sst s2  }
0xb: {  	[smem:$0x3FA4] =	sst s3  }
0xc: {  	[smem:$0x3FA5] =	sst s4  }
0xd: {  	[smem:$0x3FA6] =	sst s5  }
0xe: {  	[smem:$0x3FA7] =	sst s6  }
0xf: {  	[smem:$0x3FA8] =	sst s7  }
0x10: {  	[smem:$0x3FA9] =	sst s8  }
0x11: {  	[smem:$0x3FAA] =	sst s9;
	s0 =	simm.s32 @!p0 $0x0  }
0x12: {  	s1 =	sld [smem:$0x3F90];
	s0 =	simm.s32 @p0 $0x1  }
0x13: {  	[smem:$0x3FAB] =	sst s0;
	s0 =	simm.s32 @!p1 $0x0  }
0x14: {  	s2 =	sld [smem:$0x3F8F];
	s0 =	simm.s32 @p1 $0x1  }
0x15: {  	[smem:$0x3FAC] =	sst s0;
	s0 =	simm.s32 @!p2 $0x0  }
0x16: {  	s3 =	sld [smem:$0x3FDB];
	s0 =	simm.s32 @p2 $0x1  }
0x17: {  	s4 =	simm.s32 $0x1BF5;
	[smem:$0x3FAE] =	sst s0  }
0x18: {  	s0 =	sld [smem:$0x3F91];
	_ =	swait.ge [sflag:s4], $0x0  }
0x19: {  	s7 =	sld [smem:$0x3F92]  }
0x1a: {  	s8 =	sadd.s32 $0xFFFFE003, lr  }
0x1b: {  	s9 =	sadd.s32 $0xFFFFFEF7, lr;
	s5 =	simm.s32 $0xFFFFFFFF;
	p2 =	slt.u32 s8, $0xFFFFF086  }
0x1c: {  	p1 =	slt.u32 s9, $0xF7A;
	s5 =	simm.s32 @!p2 $0x0  }
0x1d: {  	s5 =	simm.s32 @p1 $0x1;
	p0 =	seq.s32 s7, s2  }
0x1e: {  	s7 =	smul.u32 @!p0 $0xF7A, s2;
	p2 =	seq.s32 @!p0 s5, $0x0  }
0x1f: {  	s9 =	smul.u32 $0xF7A, s1;
	s8 =	simm.s32 @!p0 $0x1BF5;
	p2 =	por !p2, p0  }
0x20: {  	[sflag:s8] =	ssyncset.s32 @!p0 $0xFFFFF086;
	s6 =	sadd.s32 @!p0 s3, s7;
	s7 =	simm.s32 @!p0 $0x108  }
0x21: {  	s3 =	sadd.s32 s3, s9;
	s6 =	sadd.s32 @!p0 $0x88, s6;
	s7 =	simm.s32 @p2 $0x1082  }
0x22: {  	[simem:s7], [sflag:s8] =	dma.local @!p0 [hbm:s6], $0xF7A  }
0x23: {  	s9 =	sor.u32 $0xD0000000, s2;
	s6 =	simm.s32 $0x108;
	_ =	swait.ge @!p0 [sflag:s8], $0x0  }
0x24: {  	s3 =	sadd.s32 $0x88, s3;
	s6 =	simm.s32 @!p1 $0x1082;
	[sflag:s4] =	ssyncset.s32 $0xFFFFF086  }
0x25: {  	[simem:s6], [sflag:s4] =	dma.local [hbm:s3], $0xF7A  }
0x26: {  	[smem:$0x3F92] =	sst s1;
	(tag) =	ssettag s2;
	_ =	strace s9  }
0x27: {  	s1 =	sld [smem:$0x3FA2]  }
0x28: {  	s2 =	sld [smem:$0x3FA3]  }
0x29: {  	s4 =	sld [smem:$0x3FA5]  }
0x2a: {  	p0 =	seq.s32 s5, $0x0;
	s5 =	sld [smem:$0x3FA6]  }
0x2b: {  	s6 =	sld [smem:$0x3FA7]  }
0x2c: {  	s7 =	sld [smem:$0x3FA8]  }
0x2d: {  	s3 =	simm.s32 $0x108;
	s8 =	sld [smem:$0x3FA9]  }
0x2e: {  	s3 =	simm.s32 @!p0 $0x1082;
	s9 =	sld [smem:$0x3FAA]  }
0x2f: {  	lr =	sadd.s32 s0, s3;
	s0 =	sld [smem:$0x3FA1]  }
0x30: {  	s3 =	sld [smem:$0x3FA4]  }
0x31: {  	[smem:$0x3FAD] =	sst s10  }
0x32: {  	s10 =	sld [smem:$0x3FAB];
	_ =	sdelay $0x3  }
0x33: {  	p0 =	seq.s32 s10, $0x1;
	s10 =	sld [smem:$0x3FAD];
	_ =	sdelay $0x3  }
0x34: {  	[smem:$0x3FAD] =	sst s10  }
0x35: {  	s10 =	sld [smem:$0x3FAC];
	_ =	sdelay $0x3  }
0x36: {  	p1 =	seq.s32 s10, $0x1;
	s10 =	sld [smem:$0x3FAD];
	_ =	sdelay $0x3  }
0x37: {  	[smem:$0x3FAD] =	sst s10  }
0x38: {  	s10 =	sld [smem:$0x3FAE]  }
0x39: {  	_ = 	snop;
	(pc) =	sbr.ind lr, $3  }
0x3a: {  	_ = 	snop  }
0x3b: {  	_ = 	snop  }
0x3c: {  	p2 =	seq.s32 s10, $0x1;
	s10 =	sld [smem:$0x3FAD]  }
0x3d: {  	_ =	shalt  }
0x3e: {  	_ =	shalt  }
0x3f: {  	_ =	shalt  }
0x40: {  	_ =	shalt  }
0x41: {  	_ =	shalt  }
0x42: {  	_ =	shalt  }
0x43: {  	_ =	shalt  }
0x44: {  	_ =	shalt  }
0x45: {  	_ =	shalt  }
0x46: {  	_ =	shalt  }
0x47: {  	_ =	shalt  }
0x48: {  	_ =	shalt  }
0x49: {  	_ =	shalt  }
0x4a: {  	_ =	shalt  }
0x4b: {  	_ =	shalt  }
0x4c: {  	_ =	shalt  }
0x4d: {  	_ =	shalt  }
0x4e: {  	_ =	shalt  }
0x4f: {  	_ =	shalt  }
0x50: {  	_ =	shalt  }
0x51: {  	_ =	shalt  }
0x52: {  	_ =	shalt  }
0x53: {  	_ =	shalt  }
0x54: {  	_ =	shalt  }
0x55: {  	_ =	shalt  }
0x56: {  	_ =	shalt  }
0x57: {  	_ =	shalt  }
0x58: {  	_ =	shalt  }
0x59: {  	_ =	shalt  }
0x5a: {  	_ =	shalt  }
0x5b: {  	_ =	shalt  }
0x5c: {  	_ =	shalt  }
0x5d: {  	_ =	shalt  }
0x5e: {  	_ =	shalt  }
0x5f: {  	_ =	shalt  }
0x60: {  	_ =	shalt  }
0x61: {  	_ =	shalt  }
0x62: {  	_ =	shalt  }
0x63: {  	_ =	shalt  }
0x64: {  	_ =	shalt  }
0x65: {  	_ =	shalt  }
0x66: {  	_ =	shalt  }
0x67: {  	_ =	shalt  }
0x68: {  	_ =	shalt  }
0x69: {  	_ =	shalt  }
0x6a: {  	_ =	shalt  }
0x6b: {  	_ =	shalt  }
0x6c: {  	_ =	shalt  }
0x6d: {  	_ =	shalt  }
0x6e: {  	_ =	shalt  }
0x6f: {  	_ =	shalt  }
0x70: {  	_ =	shalt  }
0x71: {  	_ =	shalt  }
0x72: {  	_ =	shalt  }
0x73: {  	_ =	shalt  }
0x74: {  	_ =	shalt  }
0x75: {  	_ =	shalt  }
0x76: {  	_ =	shalt  }
0x77: {  	_ =	shalt  }
0x78: {  	_ =	shalt  }
0x79: {  	_ =	shalt  }
0x7a: {  	_ =	shalt  }
0x7b: {  	_ =	shalt  }
0x7c: {  	_ =	shalt  }
0x7d: {  	_ =	shalt  }
0x7e: {  	_ =	shalt  }
0x7f: {  	_ =	shalt  }
0x80: {  	_ =	shalt  }
0x81: {  	_ =	shalt  }
0x82: {  	_ =	shalt  }
0x83: {  	_ =	shalt  }
0x84: {  	_ =	shalt  }
0x85: {  	_ =	shalt  }
0x86: {  	_ =	shalt  }
0x87: {  	_ =	shalt  }
.Lfunc_end0:
.L_simem_size_0:
called_computation_lowered:
.L_overlay_start_0:
0x88: {  	s2 =	sld [smem:$0x3FD9]  }
0x89: {  	s3 =	sld [smem:$0x3FFE];
	_ =	sdelay $0x1  }
0x8a: {  	s1 =	srdreg.scid  }
0x8b: {  	s0 =	sand.u32 $0x1, s1  }
0x8c: {  	s16 =	sshll.u32 s0, $0xA;
	s2 =	sadd.s32 s3, s2  }
0x8d: {  	s2 =	sadd.s32 s2, s16  }
0x8e: {  	[smem:$0x3FB9] =	sst s2  }
0x8f: {  	_ = 	snop  }
0x90: {  	(tm) =	ssettm $0x1  }
0x91: {  	s17 =	sld [smem:$0x3FFB];
	_ =	sdelay $0x3  }
0x92: {  	_ =	strace s17  }
0x93: {  	s2 =	sld [smem:$0x3FFC];
	_ =	sdelay $0x3  }
0x94: {  	_ =	strace s2  }
0x95: {  	s2 =	sld [smem:$0x3FFD];
	_ =	sdelay $0x3  }
0x96: {  	_ =	strace s2  }
0x97: {  	_ =	strace $0x8FFFFFFF  }
0x98: {  	s18 =	sld [smem:$0x3FDB];
	_ =	sdelay $0x1  }
0x99: {  	s19 =	simm.s32 $_scs_section_size  }
0x9a: {  	s4 =	simm.s32 $_size__tile_overlayer_lowered;
	s5 =	simm.s32 $_tile_overlayer_lowered  }
0x9b: {  	s22 =	simm.s32 $0x1BFF;
	s21 =	sshll.u32 s5, $0x1;
	s2 =	sadd.s32 s19, s18  }
0x9c: {  	s6 =	simm.s32 $0x0;
	s20 =	sshll.u32 s4, $0x1;
	s4 =	sadd.s32 s21, s2  }
0x9d: {  	[timem:s6], [sflag:s22] =	dma.local [hbm:s4], s20  }
0x9e: {  	_ =	swait.ge [sflag:s22], s20  }
0x9f: {  	s3 =	ssub.s32 $0x0, s20;
	[sflag:s22] =	ssyncset.done $0x0  }
0xa0: {  	[sflag:s22] =	ssyncadd.s32 s3;
	_ =	sdelay $0x1  }
0xa1: {  	s23 =	simm.s32 $0x1B8B  }
0xa2: {  	_ =	swait.ge [sflag:s23], $0x1  }
0xa3: {  	[sflag:s23] =	ssyncset.done $0x0  }
0xa4: {  	s25 =	simm.s32 $0x1B8E;
	s24 =	sld [smem:$0x3FFE];
	[sflag:s23] =	ssyncadd.s32 $0xFFFFFFFF  }
0xa5: {  	s26 =	simm.s32 $execute0_lowered;
	[smem:$0x3FD2] =	sst s25  }
0xa6: {  	s4 =	sshll.u32 s26, $0x1;
	_ =	strace $0x80000046;
	[dreg:$0x1] =	wrdreg $0xFFFFFFFF  }
0xa7: {  	s28 =	simm.s32 $_size_execute0_lowered;
	s2 =	sadd.s32 s2, s4;
	[dreg:$0x0] =	wrdreg $0x0  }
0xa8: {  	s4 =	sshll.u32 s28, $0x1;
	[dreg:$0x2] =	wrdreg s2  }
0xa9: {  	[dreg:$0x3] =	wrdreg s4  }
0xaa: {  	[dreg:$0x4] =	wrdreg $0xC0  }
0xab: {  	_ =	task [dreg:s6], $0x5FFFF  }
0xac: {  	[dreg:$0x1] =	wrdreg $0xFFFFFFFF  }
0xad: {  	[dreg:$0x0] =	wrdreg $0x60  }
0xae: {  	[dreg:$0x2] =	wrdreg s24  }
0xaf: {  	[dreg:$0x3] =	wrdreg $0x90000  }
0xb0: {  	[dreg:$0x4] =	wrdreg $0x9  }
0xb1: {  	_ =	task.clear_ibuf [dreg:s6], $0x5FFFF;
	_ =	strace $0x90000046  }
0xb2: {  	s29 =	simm.s32 $0x9;
	_ =	strace $0x80000048  }
0xb3: {  	_ =	swait.ge [sflag:s29], $0x1  }
0xb4: {  	[sflag:s29] =	ssyncadd.s32 $0xFFFFFFFF  }
0xb5: {  	_ =	strace $0x90000048  }
0xb6: {  	_ =	sfence  }
0xb7: {  	s30 =	sld [smem:$0x0];
	_ =	sdelay $0x2  }
0xb8: {  	s31 =	sshll.u32 s1, $0xD;
	s1 =	sshrl.u32 s1, $0x2  }
0xb9: {  	s3 =	sand.u32 $0x4000, s31;
	s1 =	sadd.s32 s1, s30  }
0xba: {  	s0 =	sor.u32 s3, s0;
	s1 =	sshll.u32 s1, $0x11  }
0xbb: {  	s0 =	sor.u32 s1, s0  }
0xbc: {  	s0 =	sadd.s32 $0x8F2B, s0  }
0xbd: {  	[sflag:s0] =	ssyncadd.remote.s32 $0x1  }
0xbe: {  	_ =	sfence.sel $0xFFFF  }
0xbf: {  	[dreg:$0x0] =	wrdreg $0xFFFFFFFF;
	(pc) =	sbr.abs _section_cstart, $3  }
0xc0: {  	[dreg:$0x1] =	wrdreg $0xFFFFFFFF  }
0xc1: {  	_ =	task.clear_ibuf [dreg:s6], $0x2FFFF;
	_ =	strace $0x9FFFFFFF  }
0xc2: {  	(tm) =	ssettm $0x7FFFFFFF  }
0xc3: {  	_ =	shalt  }
tec
execute0_lowered:
.L_overlay_start_1:
0x0: {  	(tag) =	ssettag $0x1  }
0x1: {  	s0 =	srdreg.scid;
	s6 =	rddreg [dreg:$0x0]  }
0x2: {  	s2 =	rddreg [dreg:$0x1];
	s3 =	simm.s32 $0x0;
	s14 =	simm.s32 $0x5000  }
0x3: {  	s15 =	simm.s32 $0x2;
	s16 =	simm.s32 $0x2800;
	s5 =	sand.u32 $0x1, s0  }
0x4: {  	s17 =	simm.s32 $0x80;
	s0 =	stileid.u32;
	s8 =	smul.u32 $0x140000, s5  }
0x5: {  	s18 =	simm.s32 $0x1;
	[smem:$0x7FF] =	sst s3;
	s9 =	smul.u32 $0x14000, s0  }
0x6: {  	s4 =	sadd.s32 $0x3DC00, s6;
	s1 =	sshll.u32 s5, $0x4;
	s10 =	smul.u32 $0x50000, s0  }
0x7: {  	s29 =	ssub.s32 $0x2, s5;
	s19 =	sshll.u32 s0, $0x6;
	s1 =	sor.u32 s0, s1  }
0x8: {  	s31 =	sshrl.u32 s29, $0x1;
	s19 =	sor.u32 $0x1C02, s19;
	s7 =	smul.u32 $0x500, s1  }
0x9: {  	s1 =	rddreg [dreg:$0x2];
	_ =	strace $0x80000047;
	s30 =	sshrl.u32 s10, $0x2  }
0xa: {  	s28 =	sadd.s32 s9, s8;
	s13 =	ssub.s32 s29, s31;
	s5 =	sadd.s32 s30, s2  }
0xb: {  	s13 =	smax.u32 s13, $0x1;
	s11 =	sadd.s32 s7, s6;
	s7 =	sshrl.u32 s28, $0x3  }
0xc: {  	s8 =	sadd.s32 $0xC000, s5;
	s9 =	sadd.s32 $0x10000, s5;
	s20 =	sshrl.u32 s5, $0x3  }
0xd: {  	s12 =	sadd.s32 s7, s6;
	s6 =	sadd.s32 $0x4000, s5;
	s7 =	sadd.s32 $0x8000, s5  }
0xe: {  	v0 =	vimm.f32 $0.0e+00;
	s10 =	sadd.s32 $0x2A00, s11;
	s11 =	sadd.s32 $0xCA00, s11;
	s12 =	sadd.s32 $0x176400, s12  }
.LBB2_1:
0xf: {  	s21 =	simm.s32 $0x0;
	s22 =	simm.s32 $0x200  }
.LBB2_2:
0x10: {  	p0 =	sne.s32 s22, $0xFE00;
	[tilespmem:s21+$0x5070] =	vst v0  }
0x11: {  	[tilespmem:s21+$0x5000] =	vst v0  }
0x12: {  	[tilespmem:s21+$0x5010] =	vst v0  }
.Ltmp0:
0x13: {  	[tilespmem:s21+$0x5020] =	vst v0;
	(pc) =	sbr.rel @p0 .LBB2_2-.Ltmp0, $4  }
0x14: {  	[tilespmem:s21+$0x5030] =	vst v0  }
0x15: {  	[tilespmem:s21+$0x5040] =	vst v0  }
0x16: {  	[tilespmem:s21+$0x5050] =	vst v0  }
0x17: {  	[tilespmem:s21+$0x5060] =	vst v0;
	s21 =	sshra.s32 s22, $0x2;
	s22 =	sadd.s32 $0x200, s22  }
0x18: {  	[tilespmem:s21+$0x5070] =	vst v0  }
0x19: {  	[tilespmem:s21+$0x5000] =	vst v0  }
0x1a: {  	[tilespmem:s21+$0x5010] =	vst v0  }
0x1b: {  	[tilespmem:s21+$0x5020] =	vst v0  }
0x1c: {  	[tilespmem:s21+$0x5030] =	vst v0  }
0x1d: {  	[tilespmem:s21+$0x5040] =	vst v0  }
0x1e: {  	[tilespmem:s21+$0x5050] =	vst v0  }
0x1f: {  	[tilespmem:s21+$0x5060] =	vst v0  }
0x20: {  	[spmem:s5] =	stream.linear.scatter [tilespmem:s14], [sflag:$0x2], $0x4000, $0x38;
	[tilespmem:$0x1D000] =	vst v63  }
0x21: {  	_ =	swait.ge [sflag:s15], $0x4000  }
0x22: {  	[sflag:s15] =	ssyncset.done $0x0  }
0x23: {  	[sflag:s15] =	ssyncadd.s32 $0xFFFFC000  }
0x24: {  	[spmem:s6] =	stream.linear.scatter [tilespmem:s14], [sflag:$0x2], $0x4000, $0x38;
	[tilespmem:$0x1D000] =	vst v63  }
0x25: {  	_ =	swait.ge [sflag:s15], $0x4000  }
0x26: {  	[sflag:s15] =	ssyncset.done $0x0  }
0x27: {  	[sflag:s15] =	ssyncadd.s32 $0xFFFFC000  }
0x28: {  	[spmem:s7] =	stream.linear.scatter [tilespmem:s14], [sflag:$0x2], $0x4000, $0x38;
	[tilespmem:$0x1D000] =	vst v63  }
0x29: {  	_ =	swait.ge [sflag:s15], $0x4000  }
0x2a: {  	[sflag:s15] =	ssyncset.done $0x0  }
0x2b: {  	[sflag:s15] =	ssyncadd.s32 $0xFFFFC000  }
0x2c: {  	[spmem:s8] =	stream.linear.scatter [tilespmem:s14], [sflag:$0x2], $0x4000, $0x38;
	[tilespmem:$0x1D000] =	vst v63  }
0x2d: {  	_ =	swait.ge [sflag:s15], $0x4000  }
0x2e: {  	[sflag:s15] =	ssyncset.done $0x0  }
0x2f: {  	[sflag:s15] =	ssyncadd.s32 $0xFFFFC000  }
0x30: {  	[spmem:s9] =	stream.linear.scatter [tilespmem:s14], [sflag:$0x2], $0x4000, $0x38;
	[tilespmem:$0x1D000] =	vst v63  }
0x31: {  	_ =	swait.ge [sflag:s15], $0x4000  }
0x32: {  	[sflag:s15] =	ssyncset.done $0x0  }
0x33: {  	[sflag:s15] =	ssyncadd.s32 $0xFFFFC000  }
0x34: {  	s29 =	simm.s32 $0x0;
	[bflag:$0x0] =	sbarrier.arrive $0xFFFF  }
0x35: {  	[tilespmem:s29], [sflag:$0x2] =	stream.linear.gather [hbm4b:s10+s29], $0x2780, $0x38;
	[tilespmem:$0x1D000] =	vst v63  }
0x36: {  	_ =	swait.ge [sflag:s15], $0x2780  }
0x37: {  	[sflag:s15] =	ssyncset.done $0x0  }
0x38: {  	[sflag:s15] =	ssyncadd.s32 $0xFFFFD880  }
0x39: {  	[tilespmem:s16], [sflag:$0x2] =	stream.linear.gather [hbm4b:s11+s29], $0x2780, $0x38;
	[tilespmem:$0x1D000] =	vst v63  }
0x3a: {  	_ =	swait.ge [sflag:s15], $0x2780  }
0x3b: {  	[sflag:s15] =	ssyncset.done $0x0  }
0x3c: {  	s30 =	simm.s32 $0x0;
	[sflag:s15] =	ssyncadd.s32 $0xFFFFD880  }
0x3d: {  	[tilespmem:s14], [sflag:$0x1] =	stream.indirect.gather [hbm4b:s4+s17], $0x80, s30, s17, $0xb8;
	[tilespmem:$0x1D000] =	vst v63  }
0x3e: {  	_ =	swait.ge [sflag:s18], $0x4000  }
0x3f: {  	[sflag:s18] =	ssyncset.done $0x0  }
0x40: {  	s31 =	simm.s32 $0x2800;
	[sflag:s18] =	ssyncadd.s32 $0xFFFFC000  }
0x41: {  	[spmem:s2] =	stream.indirect.scatter.add.f32 [tilespmem:s14], [sflag:$0x2], $0x80, s31, s17, $0xb8;
	[tilespmem:$0x1D000] =	vst v63  }
0x42: {  	_ =	swait.ge [sflag:s15], $0x4000  }
0x43: {  	s21 =	simm.s32 $0x200;
	s22 =	simm.s32 $0x400;
	[sflag:s15] =	ssyncset.done $0x0  }
.LBB2_4:
0x44: {  	s23 =	sshra.s32 s21, $0x2  }
0x45: {  	[sflag:s15] =	ssyncadd.s32 $0xFFFFC000;
	s21 =	smov.u32 s22;
	s24 =	sadd.s32 $0x200, s22  }
0x46: {  	[tilespmem:s14], [sflag:$0x1] =	stream.indirect.gather [hbm4b:s4+s17], $0x80, s23, s17, $0xb8;
	[tilespmem:$0x1D000] =	vst v63  }
0x47: {  	p0 =	sne.s32 s22, $0x9C00;
	_ =	swait.ge [sflag:s18], $0x4000  }
.Ltmp1:
0x48: {  	[sflag:s18] =	ssyncset.done $0x0;
	(pc) =	sbr.rel @p0 .LBB2_4-.Ltmp1, $4  }
0x49: {  	s22 =	sadd.s32 $0x2800, s23;
	[sflag:s18] =	ssyncadd.s32 $0xFFFFC000  }
0x4a: {  	[spmem:s2] =	stream.indirect.scatter.add.f32 [tilespmem:s14], [sflag:$0x2], $0x80, s22, s17, $0xb8;
	[tilespmem:$0x1D000] =	vst v63  }
0x4b: {  	_ =	swait.ge [sflag:s15], $0x4000  }
0x4c: {  	s22 =	smov.u32 s24;
	[sflag:s15] =	ssyncset.done $0x0  }
0x4d: {  	s21 =	sshra.s32 s21, $0x2;
	[sflag:s15] =	ssyncadd.s32 $0xFFFFC000  }
0x4e: {  	[tilespmem:s14], [sflag:$0x1] =	stream.indirect.gather [hbm4b:s4+s17], $0x80, s21, s17, $0xb8;
	[tilespmem:$0x1D000] =	vst v63  }
0x4f: {  	_ =	swait.ge [sflag:s18], $0x4000  }
0x50: {  	[sflag:s18] =	ssyncset.done $0x0  }
0x51: {  	s21 =	sadd.s32 $0x2800, s21;
	[sflag:s18] =	ssyncadd.s32 $0xFFFFC000  }
0x52: {  	[spmem:s2] =	stream.indirect.scatter.add.f32 [tilespmem:s14], [sflag:$0x2], $0x80, s21, s17, $0xb8;
	[tilespmem:$0x1D000] =	vst v63  }
0x53: {  	_ =	swait.ge [sflag:s15], $0x4000  }
0x54: {  	s3 =	sadd.s32 $0x1, s3;
	[sflag:s15] =	ssyncset.done $0x0  }
0x55: {  	p0 =	sne.s32 s3, s13;
	[sflag:s15] =	ssyncadd.s32 $0xFFFFC000  }
.Ltmp2:
0x56: {  	[bflag:$0x0] =	sbarrier.arrive $0xFFFF;
	(pc) =	sbr.rel @p0 .LBB2_1-.Ltmp2, $4  }
0x57: {  	[hbm:s12], [sflag:s19] =	dma.local [spmem:s20], $0x2800  }
0x58: {  	_ =	swait.ge [sflag:s15], $0x2800  }
0x59: {  	[sflag:s15] =	ssyncset.done $0x0  }
0x5a: {  	[sflag:s15] =	ssyncadd.s32 $0xFFFFD800  }
0x5b: {  	_ =	sfence.sel $0x180000  }
0x5c: {  	[bflag:$0x0] =	sbarrier.arrive $0xFFFF  }
0x5d: {  	p0 =	sne.s32 s0, $0x0;
	_ =	strace $0x90000047  }
0x5e: {  	s0 =	sadd.s32 @!p0 $0x100000, s1;
	[bflag:$0x2] =	sbarrier.arrive $0xFFFF  }
0x5f: {  	[sflag:s0] =	ssyncadd.tile.s32 @!p0 $0x1;
	_ =	shalt  }
.Lfunc_end2:
_tile_overlayer_lowered:
.L_overlay_start_2:
0x60: {  	(tag) =	ssettag $0x2  }
0x61: {  	s0 =	rddreg [dreg:$0x0];
	s2 =	stileid.u32  }
0x62: {  	s1 =	rddreg [dreg:$0x1];
	p0 =	sne.s32 s2, $0x0  }
0x63: {  	s3 =	rddreg [dreg:$0x2];
	[bflag:$0x3] =	sbarrier.arrive $0xFFFF;
	s2 =	simm.s32 @!p0 $0x1C02  }
0x64: {  	[timem:s3], [sflag:s2] =	dma.local @!p0 [hbm:s0], s1  }
0x65: {  	s0 =	simm.s32 @!p0 $0x2  }
0x66: {  	_ =	swait.ge @!p0 [sflag:s0], s1  }
0x67: {  	s1 =	ssub.s32 @!p0 $0x0, s1;
	[sflag:s0] =	ssyncset.done @!p0 $0x0  }
0x68: {  	[sflag:s0] =	ssyncadd.s32 @!p0 s1  }
0x69: {  	[bflag:$0x3] =	sbarrier.arrive $0xFFFF  }
0x6a: {  	_ =	shalt  }

</sc_bundles>
